<compile_context>
chip_gen: v7x
topology: tpu7x:2x2x1
jax: 0.10.2.dev20260603
libtpu: 0.0.44.dev20260713+nightly
codegen_flags: <defaults>
</compile_context>

<pallas_src>
import functools

import jax
import jax.numpy as jnp
from jax.experimental import pallas as pl

N = 4096
D = 512
H = 128
OUT = 512
NOISE = 5

_BLK = 256
_PRE_BLK = 512

_bf16 = jnp.bfloat16
_f32 = jnp.float32


def _dot(a, b):
    return jax.lax.dot_general(
        a, b, (((1,), (0,)), ((), ())), preferred_element_type=_f32
    )


def _pre_kernel(x_ref, nf_ref, w1x_ref, w1n_ref, wv1_ref, b1_ref, bv1_ref, p_ref):
    xb = x_ref[...].astype(_bf16)
    g_mu = _dot(xb, w1x_ref[...])
    g_lv = _dot(xb, wv1_ref[...])
    n0 = _dot(nf_ref[:, 0:NOISE].astype(_bf16), w1n_ref[...])
    n1 = _dot(nf_ref[:, NOISE:2 * NOISE].astype(_bf16), w1n_ref[...])
    b1 = b1_ref[...]
    bv1 = bv1_ref[...]
    p0 = g_mu + n0 + b1
    p1 = g_mu + n1 + b1
    pv = g_lv + bv1
    p_ref[...] = jnp.concatenate([p0, p1, pv], axis=1).astype(_bf16)


def _pre(x, nf, w1x, w1n, wv1, b1, bv1):
    grid = N // _PRE_BLK
    return pl.pallas_call(
        _pre_kernel,
        grid=(grid,),
        in_specs=[
            pl.BlockSpec((_PRE_BLK, D), lambda i: (i, 0)),
            pl.BlockSpec((_PRE_BLK, 2 * NOISE), lambda i: (i, 0)),
            pl.BlockSpec((D, H), lambda i: (0, 0)),
            pl.BlockSpec((NOISE, H), lambda i: (0, 0)),
            pl.BlockSpec((D, H), lambda i: (0, 0)),
            pl.BlockSpec((1, H), lambda i: (0, 0)),
            pl.BlockSpec((1, H), lambda i: (0, 0)),
        ],
        out_specs=pl.BlockSpec((_PRE_BLK, 3 * H), lambda i: (i, 0)),
        out_shape=jax.ShapeDtypeStruct((N, 3 * H), _bf16),
    )(x, nf, w1x, w1n, wv1, b1, bv1)


def _prop1_kernel(adj_ref, p_ref, w2_ref, wv2_ref, b2_ref, bv2_ref, q_ref):
    t1 = _dot(adj_ref[...].astype(_bf16), p_ref[...])
    h = jax.nn.relu(t1).astype(_bf16)
    q0 = _dot(h[:, 0:H], w2_ref[...]) + b2_ref[...]
    q1 = _dot(h[:, H:2 * H], w2_ref[...]) + b2_ref[...]
    qv = _dot(h[:, 2 * H:3 * H], wv2_ref[...]) + bv2_ref[...]
    q_ref[...] = jnp.concatenate([q0, q1, qv], axis=1).astype(_bf16)


def _prop1(adj, p, w2, wv2, b2, bv2):
    grid = N // _BLK
    return pl.pallas_call(
        _prop1_kernel,
        grid=(grid,),
        in_specs=[
            pl.BlockSpec((_BLK, N), lambda i: (i, 0)),
            pl.BlockSpec((N, 3 * H), lambda i: (0, 0)),
            pl.BlockSpec((H, OUT), lambda i: (0, 0)),
            pl.BlockSpec((H, OUT), lambda i: (0, 0)),
            pl.BlockSpec((1, OUT), lambda i: (0, 0)),
            pl.BlockSpec((1, OUT), lambda i: (0, 0)),
        ],
        out_specs=pl.BlockSpec((_BLK, 3 * OUT), lambda i: (i, 0)),
        out_shape=jax.ShapeDtypeStruct((N, 3 * OUT), _bf16),
    )(adj, p, w2, wv2, b2, bv2)


def _prop2_kernel(adj_ref, q_ref, eps_ref, mm_ref, ms_ref, mz_ref,
                  lv_ref, z_ref, mv_ref):
    t2 = _dot(adj_ref[...].astype(_bf16), q_ref[...])
    mu_iw = t2[:, 0:OUT]
    mu_star = t2[:, OUT:2 * OUT]
    logv = t2[:, 2 * OUT:3 * OUT]
    sigma = jnp.exp(0.5 * logv)
    z = mu_iw + sigma * eps_ref[...]
    mm_ref[...] = jnp.concatenate([mu_star, mu_iw], axis=1)
    ms_ref[...] = jnp.concatenate([sigma, sigma], axis=1)
    mz_ref[...] = jnp.concatenate([z, z], axis=1)
    lv_ref[...] = logv
    z_ref[...] = z
    mv_ref[...] = mu_iw


def _prop2(adj, q, eps):
    grid = N // _BLK
    wide = jax.ShapeDtypeStruct((N, 2 * OUT), _f32)
    slim = jax.ShapeDtypeStruct((N, OUT), _f32)
    wspec = pl.BlockSpec((_BLK, 2 * OUT), lambda i: (i, 0))
    sspec = pl.BlockSpec((_BLK, OUT), lambda i: (i, 0))
    return pl.pallas_call(
        _prop2_kernel,
        grid=(grid,),
        in_specs=[
            pl.BlockSpec((_BLK, N), lambda i: (i, 0)),
            pl.BlockSpec((N, 3 * OUT), lambda i: (0, 0)),
            sspec,
        ],
        out_specs=[wspec, wspec, wspec, sspec, sspec, sspec],
        out_shape=[wide, wide, wide, slim, slim, slim],
    )(adj, q, eps)


def _attr_kernel(xt_ref, nfa_ref, wax_ref, wan_ref, wavx_ref, ba1_ref, bav1_ref,
                 wa2_ref, wav2_ref, ba2_ref, bav2_ref, epsa_ref,
                 mm_ref, ms_ref, mz_ref, lv_ref, z_ref, mv_ref):
    xt = xt_ref[...]
    g = _dot(xt, wax_ref[...])
    gv = _dot(xt, wavx_ref[...])
    n0 = _dot(nfa_ref[:, 0:NOISE].astype(_bf16), wan_ref[...])
    n1 = _dot(nfa_ref[:, NOISE:2 * NOISE].astype(_bf16), wan_ref[...])
    ba1 = ba1_ref[...]
    h0 = jax.nn.relu(g + n0 + ba1).astype(_bf16)
    h1 = jax.nn.relu(g + n1 + ba1).astype(_bf16)
    hv = jax.nn.relu(gv + bav1_ref[...]).astype(_bf16)
    mu_iw = _dot(h0, wa2_ref[...]) + ba2_ref[...]
    mu_star = _dot(h1, wa2_ref[...]) + ba2_ref[...]
    logv = _dot(hv, wav2_ref[...]) + bav2_ref[...]
    sigma = jnp.exp(0.5 * logv)
    z = mu_iw + sigma * epsa_ref[...]
    mm_ref[...] = jnp.concatenate([mu_star, mu_iw], axis=1)
    ms_ref[...] = jnp.concatenate([sigma, sigma], axis=1)
    mz_ref[...] = jnp.concatenate([z, z], axis=1)
    lv_ref[...] = logv
    z_ref[...] = z
    mv_ref[...] = mu_iw


def _attr(xt, nfa, wax, wan, wavx, ba1, bav1, wa2, wav2, ba2, bav2, epsa):
    a = D
    full = lambda r, c: pl.BlockSpec((r, c), lambda i: (0, 0))
    wide = jax.ShapeDtypeStruct((a, 2 * OUT), _f32)
    slim = jax.ShapeDtypeStruct((a, OUT), _f32)
    return pl.pallas_call(
        _attr_kernel,
        grid=(1,),
        in_specs=[
            full(a, N), full(a, 2 * NOISE), full(N, H), full(NOISE, H),
            full(N, H), full(1, H), full(1, H), full(H, OUT), full(H, OUT),
            full(1, OUT), full(1, OUT), full(a, OUT),
        ],
        out_specs=[full(a, 2 * OUT), full(a, 2 * OUT), full(a, 2 * OUT),
                   full(a, OUT), full(a, OUT), full(a, OUT)],
        out_shape=[wide, wide, wide, slim, slim, slim],
    )(xt, nfa, wax, wan, wavx, ba1, bav1, wa2, wav2, ba2, bav2, epsa)


def _decode_kernel(zu_ref, zut_ref, zat_ref, lu_ref, la_ref):
    zu = zu_ref[...]
    lu_ref[...] = _dot(zu, zut_ref[...])
    la_ref[...] = _dot(zu, zat_ref[...])


def _decode(zu_bf, zut_bf, zat_bf):
    grid = N // _BLK
    return pl.pallas_call(
        _decode_kernel,
        grid=(grid,),
        in_specs=[
            pl.BlockSpec((_BLK, OUT), lambda i: (i, 0)),
            pl.BlockSpec((OUT, N), lambda i: (0, 0)),
            pl.BlockSpec((OUT, D), lambda i: (0, 0)),
        ],
        out_specs=[
            pl.BlockSpec((_BLK, N), lambda i: (i, 0)),
            pl.BlockSpec((_BLK, D), lambda i: (i, 0)),
        ],
        out_shape=[
            jax.ShapeDtypeStruct((N, N), _f32),
            jax.ShapeDtypeStruct((N, D), _f32),
        ],
    )(zu_bf, zut_bf, zat_bf)


def kernel(adj, x, Wnm1, bnm1, Wnm2, bnm2, Wnv1, bnv1, Wnv2, bnv2,
           Wam1, bam1, Wam2, bam2, Wav1, bav1, Wav2, bav2):
    n, a = x.shape
    key = jax.random.key(42)
    k1, k2, k3, k4 = jax.random.split(key, 4)
    node_noise = jax.random.bernoulli(k1, 0.5, (n, 2, NOISE)).astype(_f32)
    eps_u = jax.random.normal(k2, (n, 1, OUT), dtype=_f32)[:, 0, :]
    attr_noise = jax.random.bernoulli(k3, 0.5, (a, 2, NOISE)).astype(_f32)
    eps_a = jax.random.normal(k4, (a, 1, OUT), dtype=_f32)[:, 0, :]

    nf = node_noise.reshape(n, 2 * NOISE)
    nfa = attr_noise.reshape(a, 2 * NOISE)

    w1x = Wnm1[NOISE:].astype(_bf16)
    w1n = Wnm1[:NOISE].astype(_bf16)
    wv1 = Wnv1.astype(_bf16)
    w2 = Wnm2.astype(_bf16)
    wv2 = Wnv2.astype(_bf16)
    b1 = bnm1.reshape(1, H)
    bv1 = bnv1.reshape(1, H)
    b2 = bnm2.reshape(1, OUT)
    bv2 = bnv2.reshape(1, OUT)

    p = _pre(x, nf, w1x, w1n, wv1, b1, bv1)
    q = _prop1(adj, p, w2, wv2, b2, bv2)
    mm, ms, mz, lv, z_u, mv = _prop2(adj, q, eps_u)

    xt = x.T.astype(_bf16)
    amm, ams, amz, alv, z_a, amv = _attr(
        xt, nfa, Wam1[NOISE:].astype(_bf16), Wam1[:NOISE].astype(_bf16),
        Wav1.astype(_bf16), bam1.reshape(1, H), bav1.reshape(1, H),
        Wam2.astype(_bf16), Wav2.astype(_bf16), bam2.reshape(1, OUT),
        bav2.reshape(1, OUT), eps_a)

    zu_bf = z_u.astype(_bf16)
    lu, la = _decode(zu_bf, zu_bf.T, z_a.astype(_bf16).T)

    return (
        mm.reshape(n, 1, 2, OUT),
        ms.reshape(n, 1, 2, OUT),
        mz.reshape(n, 1, 2, OUT),
        lv.reshape(n, 1, OUT),
        z_u.reshape(n, 1, OUT),
        amm.reshape(a, 1, 2, OUT),
        ams.reshape(a, 1, 2, OUT),
        amz.reshape(a, 1, 2, OUT),
        alv.reshape(a, 1, OUT),
        z_a.reshape(a, 1, OUT),
        lu.reshape(n, n, 1),
        la.reshape(n, a, 1),
        mv,
        amv,
    )

# --- scband reference (transcript-rebuilt; emitter-appended) ---
"""Pipeline reference for scband-hoane-33689723470083 (READ-ONLY COPY).

The authoritative reference and input builder live on the scoring server;
editing this copy changes nothing except your own understanding.
"""

import jax, jax.numpy as jnp
import numpy as np

N = 4096
D = 512
H = 128
OUT = 512
NOISE = 5
K = 1
J = 1


def _propagate(adj, h):
    if h.ndim == 3:
        return jnp.einsum('ij,jkd->ikd', adj, h)
    return adj @ h


def _gcn(adj, x, W1, b1, W2, b2):
    h = _propagate(adj, x @ W1 + b1)
    h = jax.nn.relu(h)
    h = _propagate(adj, h @ W2 + b2)
    return h


def _mlp(x, W1, b1, W2, b2):
    h = jax.nn.relu(x @ W1 + b1)
    return h @ W2 + b2


def setup_inputs(seed: int = 0):
    key = jax.random.key(seed)
    ks = jax.random.split(key, 12)
    adj = jax.random.uniform(ks[0], (N, N), dtype=jnp.float32) * (1.0 / N)
    x = jax.random.normal(ks[1], (N, D), dtype=jnp.float32)

    def w(k, i, o):
        return jax.random.normal(k, (i, o), dtype=jnp.float32) * (1.0 / np.sqrt(i))

    inp = {"adj": adj, "x": x}
    inp["Wnm1"] = w(ks[2], D + NOISE, H); inp["bnm1"] = jnp.zeros((H,), jnp.float32)
    inp["Wnm2"] = w(ks[3], H, OUT); inp["bnm2"] = jnp.zeros((OUT,), jnp.float32)
    inp["Wnv1"] = w(ks[4], D, H); inp["bnv1"] = jnp.zeros((H,), jnp.float32)
    inp["Wnv2"] = w(ks[5], H, OUT); inp["bnv2"] = jnp.zeros((OUT,), jnp.float32)
    inp["Wam1"] = w(ks[6], N + NOISE, H); inp["bam1"] = jnp.zeros((H,), jnp.float32)
    inp["Wam2"] = w(ks[7], H, OUT); inp["bam2"] = jnp.zeros((OUT,), jnp.float32)
    inp["Wav1"] = w(ks[8], N, H); inp["bav1"] = jnp.zeros((H,), jnp.float32)
    inp["Wav2"] = w(ks[9], H, OUT); inp["bav2"] = jnp.zeros((OUT,), jnp.float32)
    return inp


def reference(adj, x, Wnm1, bnm1, Wnm2, bnm2, Wnv1, bnv1, Wnv2, bnv2, Wam1, bam1, Wam2, bam2, Wav1, bav1, Wav2, bav2):
    key = jax.random.key(42)
    k1, k2, k3, k4 = jax.random.split(key, 4)
    n, a = x.shape
    # ---- node encode ----
    node_mu_input = jnp.repeat(x[:, None, :], K + J, axis=1)
    node_noise = jax.random.bernoulli(k1, 0.5, (n, K + J, NOISE)).astype(jnp.float32)
    noised_node = jnp.concatenate([node_noise, node_mu_input], axis=2)
    node_mu = _gcn(adj, noised_node, Wnm1, bnm1, Wnm2, bnm2)
    node_mu_iw = node_mu[:, :K, :]
    node_mu_star = node_mu[:, K:, :]
    node_mu_iw_vec = jnp.mean(node_mu_iw, axis=1)
    node_logv = _gcn(adj, x, Wnv1, bnv1, Wnv2, bnv2)
    node_logv_iw = jnp.repeat(node_logv[:, None, :], K, axis=1)
    node_sigma_iw1 = jnp.exp(0.5 * node_logv_iw)
    merged_node_sigma = jnp.repeat(node_sigma_iw1[:, :, None, :], J + 1, axis=2)
    node_z_samples_iw = node_mu_iw + node_sigma_iw1 * jax.random.normal(k2, node_mu_iw.shape, dtype=jnp.float32)
    merged_node_z_samples = jnp.repeat(node_z_samples_iw[:, :, None, :], J + 1, axis=2)
    node_mu_star1 = jnp.repeat(node_mu_star[:, None, :, :], K, axis=1)
    merged_node_mu = jnp.concatenate([node_mu_star1, node_mu_iw[:, :, None, :]], axis=2)
    # ---- attr encode ----
    xt = x.T
    attr_mu_input = jnp.repeat(xt[:, None, :], K + J, axis=1)
    attr_noise = jax.random.bernoulli(k3, 0.5, (a, K + J, NOISE)).astype(jnp.float32)
    noised_attr = jnp.concatenate([attr_noise, attr_mu_input], axis=2)
    attr_mu = _mlp(noised_attr, Wam1, bam1, Wam2, bam2)
    attr_mu_iw = attr_mu[:, :K, :]
    attr_mu_star = attr_mu[:, K:, :]
    attr_mu_iw_vec = jnp.mean(attr_mu_iw, axis=1)
    attr_logv = _mlp(xt, Wav1, bav1, Wav2, bav2)
    attr_logv_iw = jnp.repeat(attr_logv[:, None, :], K, axis=1)
    attr_sigma_iw1 = jnp.exp(0.5 * attr_logv_iw)
    merged_attr_sigma = jnp.repeat(attr_sigma_iw1[:, :, None, :], J + 1, axis=2)
    attr_z_samples_iw = attr_mu_iw + attr_sigma_iw1 * jax.random.normal(k4, attr_mu_iw.shape, dtype=jnp.float32)
    merged_attr_z_samples = jnp.repeat(attr_z_samples_iw[:, :, None, :], J + 1, axis=2)
    attr_mu_star1 = jnp.repeat(attr_mu_star[:, None, :, :], K, axis=1)
    merged_attr_mu = jnp.concatenate([attr_mu_star1, attr_mu_iw[:, :, None, :]], axis=2)
    # ---- decode (inner product) ----
    outs_u = []
    outs_a = []
    for i in range(K):
        z_u = node_z_samples_iw[:, i, :]
        z_a = attr_z_samples_iw[:, i, :]
        outs_u.append((z_u @ z_u.T)[:, :, None])
        outs_a.append((z_u @ z_a.T)[:, :, None])
    reconstruct_node_logits = jnp.concatenate(outs_u, axis=2)
    reconstruct_attr_logits = jnp.concatenate(outs_a, axis=2)
    return (merged_node_mu, merged_node_sigma, merged_node_z_samples, node_logv_iw, node_z_samples_iw,
            merged_attr_mu, merged_attr_sigma, merged_attr_z_samples, attr_logv_iw, attr_z_samples_iw,
            reconstruct_node_logits, reconstruct_attr_logits, node_mu_iw_vec, attr_mu_iw_vec)

if __name__ == "__main__":
    import jax
    _d = setup_inputs()
    print(jax.jit(kernel)(*tuple(_d.values())))

</pallas_src>

<mosaic_0001>
module attributes {stable_mosaic.version = 14 : i64} {
  func.func @_attr_kernel(%arg0: i32, %arg1: memref<512x4096xbf16, #tpu.memory_space<vmem>>, %arg2: memref<512x10xf32, #tpu.memory_space<vmem>>, %arg3: memref<4096x128xbf16, #tpu.memory_space<vmem>>, %arg4: memref<5x128xbf16, #tpu.memory_space<vmem>>, %arg5: memref<4096x128xbf16, #tpu.memory_space<vmem>>, %arg6: memref<1x128xf32, #tpu.memory_space<vmem>>, %arg7: memref<1x128xf32, #tpu.memory_space<vmem>>, %arg8: memref<128x512xbf16, #tpu.memory_space<vmem>>, %arg9: memref<128x512xbf16, #tpu.memory_space<vmem>>, %arg10: memref<1x512xf32, #tpu.memory_space<vmem>>, %arg11: memref<1x512xf32, #tpu.memory_space<vmem>>, %arg12: memref<512x512xf32, #tpu.memory_space<vmem>>, %arg13: memref<512x1024xf32, #tpu.memory_space<vmem>>, %arg14: memref<512x1024xf32, #tpu.memory_space<vmem>>, %arg15: memref<512x1024xf32, #tpu.memory_space<vmem>>, %arg16: memref<512x512xf32, #tpu.memory_space<vmem>>, %arg17: memref<512x512xf32, #tpu.memory_space<vmem>>, %arg18: memref<512x512xf32, #tpu.memory_space<vmem>>) attributes {dimension_semantics = [#tpu.dimension_semantics<arbitrary>], iteration_bounds = array<i64: 1>, scalar_prefetch = 0 : i64, scratch_operands = 0 : i64, tpu.core_type = #tpu.core_type<tc>, window_params = [{pipeline_mode = #tpu.pipeline_mode<synchronous>, transform_indices = @transform_0, window_bounds = array<i64: 512, 4096>}, {pipeline_mode = #tpu.pipeline_mode<synchronous>, transform_indices = @transform_1, window_bounds = array<i64: 512, 10>}, {pipeline_mode = #tpu.pipeline_mode<synchronous>, transform_indices = @transform_2, window_bounds = array<i64: 4096, 128>}, {pipeline_mode = #tpu.pipeline_mode<synchronous>, transform_indices = @transform_3, window_bounds = array<i64: 5, 128>}, {pipeline_mode = #tpu.pipeline_mode<synchronous>, transform_indices = @transform_4, window_bounds = array<i64: 4096, 128>}, {pipeline_mode = #tpu.pipeline_mode<synchronous>, transform_indices = @transform_5, window_bounds = array<i64: 1, 128>}, {pipeline_mode = #tpu.pipeline_mode<synchronous>, transform_indices = @transform_6, window_bounds = array<i64: 1, 128>}, {pipeline_mode = #tpu.pipeline_mode<synchronous>, transform_indices = @transform_7, window_bounds = array<i64: 128, 512>}, {pipeline_mode = #tpu.pipeline_mode<synchronous>, transform_indices = @transform_8, window_bounds = array<i64: 128, 512>}, {pipeline_mode = #tpu.pipeline_mode<synchronous>, transform_indices = @transform_9, window_bounds = array<i64: 1, 512>}, {pipeline_mode = #tpu.pipeline_mode<synchronous>, transform_indices = @transform_10, window_bounds = array<i64: 1, 512>}, {pipeline_mode = #tpu.pipeline_mode<synchronous>, transform_indices = @transform_11, window_bounds = array<i64: 512, 512>}, {pipeline_mode = #tpu.pipeline_mode<synchronous>, transform_indices = @transform_12, window_bounds = array<i64: 512, 1024>}, {pipeline_mode = #tpu.pipeline_mode<synchronous>, transform_indices = @transform_13, window_bounds = array<i64: 512, 1024>}, {pipeline_mode = #tpu.pipeline_mode<synchronous>, transform_indices = @transform_14, window_bounds = array<i64: 512, 1024>}, {pipeline_mode = #tpu.pipeline_mode<synchronous>, transform_indices = @transform_15, window_bounds = array<i64: 512, 512>}, {pipeline_mode = #tpu.pipeline_mode<synchronous>, transform_indices = @transform_16, window_bounds = array<i64: 512, 512>}, {pipeline_mode = #tpu.pipeline_mode<synchronous>, transform_indices = @transform_17, window_bounds = array<i64: 512, 512>}]} {
    %get3A = arith.constant 0 : index
    %get3A_0 = arith.constant 0 : index
    %get3A_1 = vector.load %arg1[%get3A, %get3A_0] : memref<512x4096xbf16, #tpu.memory_space<vmem>>, vector<512x4096xbf16>
    %get3A_2 = arith.constant 0 : index
    %get3A_3 = arith.constant 0 : index
    %get3A_4 = vector.load %arg3[%get3A_2, %get3A_3] : memref<4096x128xbf16, #tpu.memory_space<vmem>>, vector<4096x128xbf16>
    %dot_general3A = arith.constant dense<0.000000e+00> : vector<512x128xf32>
    %dot_general3A_5 = tpu.matmul %get3A_1, %get3A_4, %dot_general3A {dimension_numbers = #tpu.dot_dimension_numbers<[1], [0], [0], [1], [0, 0, 1, 1], [], []>, transpose_lhs_hint = false} : vector<512x4096xbf16>, vector<4096x128xbf16>, vector<512x128xf32> -> vector<512x128xf32>
    %get3A_6 = arith.constant 0 : index
    %get3A_7 = arith.constant 0 : index
    %get3A_8 = vector.load %arg5[%get3A_6, %get3A_7] : memref<4096x128xbf16, #tpu.memory_space<vmem>>, vector<4096x128xbf16>
    %dot_general3A_9 = arith.constant dense<0.000000e+00> : vector<512x128xf32>
    %dot_general3A_10 = tpu.matmul %get3A_1, %get3A_8, %dot_general3A_9 {dimension_numbers = #tpu.dot_dimension_numbers<[1], [0], [0], [1], [0, 0, 1, 1], [], []>, transpose_lhs_hint = false} : vector<512x4096xbf16>, vector<4096x128xbf16>, vector<512x128xf32> -> vector<512x128xf32>
    %get3A_11 = arith.constant 0 : index
    %get3A_12 = arith.constant 0 : index
    %get3A_13 = vector.load %arg2[%get3A_11, %get3A_12] : memref<512x10xf32, #tpu.memory_space<vmem>>, vector<512x5xf32>
    %convert_element_type3A = arith.truncf %get3A_13 : vector<512x5xf32> to vector<512x5xbf16>
    %get3A_14 = arith.constant 0 : index
    %get3A_15 = arith.constant 0 : index
    %get3A_16 = vector.load %arg4[%get3A_14, %get3A_15] : memref<5x128xbf16, #tpu.memory_space<vmem>>, vector<5x128xbf16>
    %dot_general3A_17 = arith.constant dense<0.000000e+00> : vector<512x128xf32>
    %dot_general3A_18 = tpu.matmul %convert_element_type3A, %get3A_16, %dot_general3A_17 {dimension_numbers = #tpu.dot_dimension_numbers<[1], [0], [0], [1], [0, 0, 1, 1], [], []>, transpose_lhs_hint = false} : vector<512x5xbf16>, vector<5x128xbf16>, vector<512x128xf32> -> vector<512x128xf32>
    %get3A_19 = arith.constant 0 : index
    %get3A_20 = arith.constant 5 : index
    %get3A_21 = vector.load %arg2[%get3A_19, %get3A_20] : memref<512x10xf32, #tpu.memory_space<vmem>>, vector<512x5xf32>
    %convert_element_type3A_22 = arith.truncf %get3A_21 : vector<512x5xf32> to vector<512x5xbf16>
    %get3A_23 = arith.constant 0 : index
    %get3A_24 = arith.constant 0 : index
    %get3A_25 = vector.load %arg4[%get3A_23, %get3A_24] : memref<5x128xbf16, #tpu.memory_space<vmem>>, vector<5x128xbf16>
    %dot_general3A_26 = arith.constant dense<0.000000e+00> : vector<512x128xf32>
    %dot_general3A_27 = tpu.matmul %convert_element_type3A_22, %get3A_25, %dot_general3A_26 {dimension_numbers = #tpu.dot_dimension_numbers<[1], [0], [0], [1], [0, 0, 1, 1], [], []>, transpose_lhs_hint = false} : vector<512x5xbf16>, vector<5x128xbf16>, vector<512x128xf32> -> vector<512x128xf32>
    %get3A_28 = arith.constant 0 : index
    %get3A_29 = arith.constant 0 : index
    %get3A_30 = vector.load %arg6[%get3A_28, %get3A_29] : memref<1x128xf32, #tpu.memory_space<vmem>>, vector<1x128xf32>
    %add3A = arith.addf %dot_general3A_5, %dot_general3A_18 : vector<512x128xf32>
    %add3A_31 = vector.broadcast %get3A_30 : vector<1x128xf32> to vector<512x128xf32>
    %add3A_32 = arith.addf %add3A, %add3A_31 : vector<512x128xf32>
    %max3A = arith.constant 0.000000e+00 : f32
    %max3A_33 = vector.broadcast %max3A : f32 to vector<512x128xf32>
    %max3A_34 = arith.maximumf %add3A_32, %max3A_33 : vector<512x128xf32>
    %convert_element_type3A_35 = arith.truncf %max3A_34 : vector<512x128xf32> to vector<512x128xbf16>
    %add3A_36 = arith.addf %dot_general3A_5, %dot_general3A_27 : vector<512x128xf32>
    %add3A_37 = vector.broadcast %get3A_30 : vector<1x128xf32> to vector<512x128xf32>
    %add3A_38 = arith.addf %add3A_36, %add3A_37 : vector<512x128xf32>
    %max3A_39 = arith.constant 0.000000e+00 : f32
    %max3A_40 = vector.broadcast %max3A_39 : f32 to vector<512x128xf32>
    %max3A_41 = arith.maximumf %add3A_38, %max3A_40 : vector<512x128xf32>
    %convert_element_type3A_42 = arith.truncf %max3A_41 : vector<512x128xf32> to vector<512x128xbf16>
    %get3A_43 = arith.constant 0 : index
    %get3A_44 = arith.constant 0 : index
    %get3A_45 = vector.load %arg7[%get3A_43, %get3A_44] : memref<1x128xf32, #tpu.memory_space<vmem>>, vector<1x128xf32>
    %add3A_46 = vector.broadcast %get3A_45 : vector<1x128xf32> to vector<512x128xf32>
    %add3A_47 = arith.addf %dot_general3A_10, %add3A_46 : vector<512x128xf32>
    %max3A_48 = arith.constant 0.000000e+00 : f32
    %max3A_49 = vector.broadcast %max3A_48 : f32 to vector<512x128xf32>
    %max3A_50 = arith.maximumf %add3A_47, %max3A_49 : vector<512x128xf32>
    %convert_element_type3A_51 = arith.truncf %max3A_50 : vector<512x128xf32> to vector<512x128xbf16>
    %get3A_52 = arith.constant 0 : index
    %get3A_53 = arith.constant 0 : index
    %get3A_54 = vector.load %arg8[%get3A_52, %get3A_53] : memref<128x512xbf16, #tpu.memory_space<vmem>>, vector<128x512xbf16>
    %dot_general3A_55 = arith.constant dense<0.000000e+00> : vector<512x512xf32>
    %dot_general3A_56 = tpu.matmul %convert_element_type3A_35, %get3A_54, %dot_general3A_55 {dimension_numbers = #tpu.dot_dimension_numbers<[1], [0], [0], [1], [0, 0, 1, 1], [], []>, transpose_lhs_hint = false} : vector<512x128xbf16>, vector<128x512xbf16>, vector<512x512xf32> -> vector<512x512xf32>
    %get3A_57 = arith.constant 0 : index
    %get3A_58 = arith.constant 0 : index
    %get3A_59 = vector.load %arg10[%get3A_57, %get3A_58] : memref<1x512xf32, #tpu.memory_space<vmem>>, vector<1x512xf32>
    %add3A_60 = vector.broadcast %get3A_59 : vector<1x512xf32> to vector<512x512xf32>
    %add3A_61 = arith.addf %dot_general3A_56, %add3A_60 : vector<512x512xf32>
    %get3A_62 = arith.constant 0 : index
    %get3A_63 = arith.constant 0 : index
    %get3A_64 = vector.load %arg8[%get3A_62, %get3A_63] : memref<128x512xbf16, #tpu.memory_space<vmem>>, vector<128x512xbf16>
    %dot_general3A_65 = arith.constant dense<0.000000e+00> : vector<512x512xf32>
    %dot_general3A_66 = tpu.matmul %convert_element_type3A_42, %get3A_64, %dot_general3A_65 {dimension_numbers = #tpu.dot_dimension_numbers<[1], [0], [0], [1], [0, 0, 1, 1], [], []>, transpose_lhs_hint = false} : vector<512x128xbf16>, vector<128x512xbf16>, vector<512x512xf32> -> vector<512x512xf32>
    %get3A_67 = arith.constant 0 : index
    %get3A_68 = arith.constant 0 : index
    %get3A_69 = vector.load %arg10[%get3A_67, %get3A_68] : memref<1x512xf32, #tpu.memory_space<vmem>>, vector<1x512xf32>
    %add3A_70 = vector.broadcast %get3A_69 : vector<1x512xf32> to vector<512x512xf32>
    %add3A_71 = arith.addf %dot_general3A_66, %add3A_70 : vector<512x512xf32>
    %get3A_72 = arith.constant 0 : index
    %get3A_73 = arith.constant 0 : index
    %get3A_74 = vector.load %arg9[%get3A_72, %get3A_73] : memref<128x512xbf16, #tpu.memory_space<vmem>>, vector<128x512xbf16>
    %dot_general3A_75 = arith.constant dense<0.000000e+00> : vector<512x512xf32>
    %dot_general3A_76 = tpu.matmul %convert_element_type3A_51, %get3A_74, %dot_general3A_75 {dimension_numbers = #tpu.dot_dimension_numbers<[1], [0], [0], [1], [0, 0, 1, 1], [], []>, transpose_lhs_hint = false} : vector<512x128xbf16>, vector<128x512xbf16>, vector<512x512xf32> -> vector<512x512xf32>
    %get3A_77 = arith.constant 0 : index
    %get3A_78 = arith.constant 0 : index
    %get3A_79 = vector.load %arg11[%get3A_77, %get3A_78] : memref<1x512xf32, #tpu.memory_space<vmem>>, vector<1x512xf32>
    %add3A_80 = vector.broadcast %get3A_79 : vector<1x512xf32> to vector<512x512xf32>
    %add3A_81 = arith.addf %dot_general3A_76, %add3A_80 : vector<512x512xf32>
    %mul3A = arith.constant 5.000000e-01 : f32
    %mul3A_82 = vector.broadcast %mul3A : f32 to vector<512x512xf32>
    %mul3A_83 = arith.mulf %mul3A_82, %add3A_81 : vector<512x512xf32>
    %exp3A = math.exp %mul3A_83 : vector<512x512xf32>
    %get3A_84 = arith.constant 0 : index
    %get3A_85 = arith.constant 0 : index
    %get3A_86 = vector.load %arg12[%get3A_84, %get3A_85] : memref<512x512xf32, #tpu.memory_space<vmem>>, vector<512x512xf32>
    %mul3A_87 = arith.mulf %exp3A, %get3A_86 : vector<512x512xf32>
    %add3A_88 = arith.addf %add3A_61, %mul3A_87 : vector<512x512xf32>
    %concatenate3A = tpu.concatenate %add3A_71, %add3A_61 in 1 : vector<512x512xf32>, vector<512x512xf32> -> vector<512x1024xf32>
    %swap3A = arith.constant 0 : index
    %swap3A_89 = arith.constant 0 : index
    %swap3A_90 = vector.load %arg13[%swap3A, %swap3A_89] : memref<512x1024xf32, #tpu.memory_space<vmem>>, vector<512x1024xf32>
    tpu.vector_store %arg13[%swap3A, %swap3A_89], %concatenate3A {strides = array<i32>} : memref<512x1024xf32, #tpu.memory_space<vmem>>, vector<512x1024xf32>,
    %concatenate3A_91 = tpu.concatenate %exp3A, %exp3A in 1 : vector<512x512xf32>, vector<512x512xf32> -> vector<512x1024xf32>
    %swap3A_92 = arith.constant 0 : index
    %swap3A_93 = arith.constant 0 : index
    %swap3A_94 = vector.load %arg14[%swap3A_92, %swap3A_93] : memref<512x1024xf32, #tpu.memory_space<vmem>>, vector<512x1024xf32>
    tpu.vector_store %arg14[%swap3A_92, %swap3A_93], %concatenate3A_91 {strides = array<i32>} : memref<512x1024xf32, #tpu.memory_space<vmem>>, vector<512x1024xf32>,
    %concatenate3A_95 = tpu.concatenate %add3A_88, %add3A_88 in 1 : vector<512x512xf32>, vector<512x512xf32> -> vector<512x1024xf32>
    %swap3A_96 = arith.constant 0 : index
    %swap3A_97 = arith.constant 0 : index
    %swap3A_98 = vector.load %arg15[%swap3A_96, %swap3A_97] : memref<512x1024xf32, #tpu.memory_space<vmem>>, vector<512x1024xf32>
    tpu.vector_store %arg15[%swap3A_96, %swap3A_97], %concatenate3A_95 {strides = array<i32>} : memref<512x1024xf32, #tpu.memory_space<vmem>>, vector<512x1024xf32>,
    %swap3A_99 = arith.constant 0 : index
    %swap3A_100 = arith.constant 0 : index
    %swap3A_101 = vector.load %arg16[%swap3A_99, %swap3A_100] : memref<512x512xf32, #tpu.memory_space<vmem>>, vector<512x512xf32>
    tpu.vector_store %arg16[%swap3A_99, %swap3A_100], %add3A_81 {strides = array<i32>} : memref<512x512xf32, #tpu.memory_space<vmem>>, vector<512x512xf32>,
    %swap3A_102 = arith.constant 0 : index
    %swap3A_103 = arith.constant 0 : index
    %swap3A_104 = vector.load %arg17[%swap3A_102, %swap3A_103] : memref<512x512xf32, #tpu.memory_space<vmem>>, vector<512x512xf32>
    tpu.vector_store %arg17[%swap3A_102, %swap3A_103], %add3A_88 {strides = array<i32>} : memref<512x512xf32, #tpu.memory_space<vmem>>, vector<512x512xf32>,
    %swap3A_105 = arith.constant 0 : index
    %swap3A_106 = arith.constant 0 : index
    %swap3A_107 = vector.load %arg18[%swap3A_105, %swap3A_106] : memref<512x512xf32, #tpu.memory_space<vmem>>, vector<512x512xf32>
    tpu.vector_store %arg18[%swap3A_105, %swap3A_106], %add3A_61 {strides = array<i32>} : memref<512x512xf32, #tpu.memory_space<vmem>>, vector<512x512xf32>,
    return
  }
  func.func @transform_0(%arg0: i32) -> (i32, i32) {
    %c0_i32 = arith.constant 0 : i32
    %c0_i32_0 = arith.constant 0 : i32
    %c0_i32_1 = arith.constant 0 : i32
    return %c0_i32, %c0_i32_0 : i32, i32
  }
  func.func @transform_1(%arg0: i32) -> (i32, i32) {
    %c0_i32 = arith.constant 0 : i32
    %c0_i32_0 = arith.constant 0 : i32
    %c0_i32_1 = arith.constant 0 : i32
    return %c0_i32, %c0_i32_0 : i32, i32
  }
  func.func @transform_2(%arg0: i32) -> (i32, i32) {
    %c0_i32 = arith.constant 0 : i32
    %c0_i32_0 = arith.constant 0 : i32
    %c0_i32_1 = arith.constant 0 : i32
    return %c0_i32, %c0_i32_0 : i32, i32
  }
  func.func @transform_3(%arg0: i32) -> (i32, i32) {
    %c0_i32 = arith.constant 0 : i32
    %c0_i32_0 = arith.constant 0 : i32
    %c0_i32_1 = arith.constant 0 : i32
    return %c0_i32, %c0_i32_0 : i32, i32
  }
  func.func @transform_4(%arg0: i32) -> (i32, i32) {
    %c0_i32 = arith.constant 0 : i32
    %c0_i32_0 = arith.constant 0 : i32
    %c0_i32_1 = arith.constant 0 : i32
    return %c0_i32, %c0_i32_0 : i32, i32
  }
  func.func @transform_5(%arg0: i32) -> (i32, i32) {
    %c0_i32 = arith.constant 0 : i32
    %c0_i32_0 = arith.constant 0 : i32
    %c0_i32_1 = arith.constant 0 : i32
    return %c0_i32, %c0_i32_0 : i32, i32
  }
  func.func @transform_6(%arg0: i32) -> (i32, i32) {
    %c0_i32 = arith.constant 0 : i32
    %c0_i32_0 = arith.constant 0 : i32
    %c0_i32_1 = arith.constant 0 : i32
    return %c0_i32, %c0_i32_0 : i32, i32
  }
  func.func @transform_7(%arg0: i32) -> (i32, i32) {
    %c0_i32 = arith.constant 0 : i32
    %c0_i32_0 = arith.constant 0 : i32
    %c0_i32_1 = arith.constant 0 : i32
    return %c0_i32, %c0_i32_0 : i32, i32
  }
  func.func @transform_8(%arg0: i32) -> (i32, i32) {
    %c0_i32 = arith.constant 0 : i32
    %c0_i32_0 = arith.constant 0 : i32
    %c0_i32_1 = arith.constant 0 : i32
    return %c0_i32, %c0_i32_0 : i32, i32
  }
  func.func @transform_9(%arg0: i32) -> (i32, i32) {
    %c0_i32 = arith.constant 0 : i32
    %c0_i32_0 = arith.constant 0 : i32
    %c0_i32_1 = arith.constant 0 : i32
    return %c0_i32, %c0_i32_0 : i32, i32
  }
  func.func @transform_10(%arg0: i32) -> (i32, i32) {
    %c0_i32 = arith.constant 0 : i32
    %c0_i32_0 = arith.constant 0 : i32
    %c0_i32_1 = arith.constant 0 : i32
    return %c0_i32, %c0_i32_0 : i32, i32
  }
  func.func @transform_11(%arg0: i32) -> (i32, i32) {
    %c0_i32 = arith.constant 0 : i32
    %c0_i32_0 = arith.constant 0 : i32
    %c0_i32_1 = arith.constant 0 : i32
    return %c0_i32, %c0_i32_0 : i32, i32
  }
  func.func @transform_12(%arg0: i32) -> (i32, i32) {
    %c0_i32 = arith.constant 0 : i32
    %c0_i32_0 = arith.constant 0 : i32
    %c0_i32_1 = arith.constant 0 : i32
    return %c0_i32, %c0_i32_0 : i32, i32
  }
  func.func @transform_13(%arg0: i32) -> (i32, i32) {
    %c0_i32 = arith.constant 0 : i32
    %c0_i32_0 = arith.constant 0 : i32
    %c0_i32_1 = arith.constant 0 : i32
    return %c0_i32, %c0_i32_0 : i32, i32
  }
  func.func @transform_14(%arg0: i32) -> (i32, i32) {
    %c0_i32 = arith.constant 0 : i32
    %c0_i32_0 = arith.constant 0 : i32
    %c0_i32_1 = arith.constant 0 : i32
    return %c0_i32, %c0_i32_0 : i32, i32
  }
  func.func @transform_15(%arg0: i32) -> (i32, i32) {
    %c0_i32 = arith.constant 0 : i32
    %c0_i32_0 = arith.constant 0 : i32
    %c0_i32_1 = arith.constant 0 : i32
    return %c0_i32, %c0_i32_0 : i32, i32
  }
  func.func @transform_16(%arg0: i32) -> (i32, i32) {
    %c0_i32 = arith.constant 0 : i32
    %c0_i32_0 = arith.constant 0 : i32
    %c0_i32_1 = arith.constant 0 : i32
    return %c0_i32, %c0_i32_0 : i32, i32
  }
  func.func @transform_17(%arg0: i32) -> (i32, i32) {
    %c0_i32 = arith.constant 0 : i32
    %c0_i32_0 = arith.constant 0 : i32
    %c0_i32_1 = arith.constant 0 : i32
    return %c0_i32, %c0_i32_0 : i32, i32
  }
}

module attributes {stable_mosaic.version = 14 : i64} {
  func.func @_pre_kernel(%arg0: i32, %arg1: memref<512x512xf32, #tpu.memory_space<vmem>>, %arg2: memref<512x10xf32, #tpu.memory_space<vmem>>, %arg3: memref<512x128xbf16, #tpu.memory_space<vmem>>, %arg4: memref<5x128xbf16, #tpu.memory_space<vmem>>, %arg5: memref<512x128xbf16, #tpu.memory_space<vmem>>, %arg6: memref<1x128xf32, #tpu.memory_space<vmem>>, %arg7: memref<1x128xf32, #tpu.memory_space<vmem>>, %arg8: memref<512x384xbf16, #tpu.memory_space<vmem>>) attributes {dimension_semantics = [#tpu.dimension_semantics<arbitrary>], iteration_bounds = array<i64: 8>, scalar_prefetch = 0 : i64, scratch_operands = 0 : i64, tpu.core_type = #tpu.core_type<tc>, window_params = [{transform_indices = @transform_0, window_bounds = array<i64: 512, 512>}, {transform_indices = @transform_1, window_bounds = array<i64: 512, 10>}, {pipeline_mode = #tpu.pipeline_mode<synchronous>, transform_indices = @transform_2, window_bounds = array<i64: 512, 128>}, {pipeline_mode = #tpu.pipeline_mode<synchronous>, transform_indices = @transform_3, window_bounds = array<i64: 5, 128>}, {pipeline_mode = #tpu.pipeline_mode<synchronous>, transform_indices = @transform_4, window_bounds = array<i64: 512, 128>}, {pipeline_mode = #tpu.pipeline_mode<synchronous>, transform_indices = @transform_5, window_bounds = array<i64: 1, 128>}, {pipeline_mode = #tpu.pipeline_mode<synchronous>, transform_indices = @transform_6, window_bounds = array<i64: 1, 128>}, {transform_indices = @transform_7, window_bounds = array<i64: 512, 384>}]} {
    %get3A = arith.constant 0 : index
    %get3A_0 = arith.constant 0 : index
    %get3A_1 = vector.load %arg1[%get3A, %get3A_0] : memref<512x512xf32, #tpu.memory_space<vmem>>, vector<512x512xf32>
    %convert_element_type3A = arith.truncf %get3A_1 : vector<512x512xf32> to vector<512x512xbf16>
    %get3A_2 = arith.constant 0 : index
    %get3A_3 = arith.constant 0 : index
    %get3A_4 = vector.load %arg3[%get3A_2, %get3A_3] : memref<512x128xbf16, #tpu.memory_space<vmem>>, vector<512x128xbf16>
    %dot_general3A = arith.constant dense<0.000000e+00> : vector<512x128xf32>
    %dot_general3A_5 = tpu.matmul %convert_element_type3A, %get3A_4, %dot_general3A {dimension_numbers = #tpu.dot_dimension_numbers<[1], [0], [0], [1], [0, 0, 1, 1], [], []>, transpose_lhs_hint = false} : vector<512x512xbf16>, vector<512x128xbf16>, vector<512x128xf32> -> vector<512x128xf32>
    %get3A_6 = arith.constant 0 : index
    %get3A_7 = arith.constant 0 : index
    %get3A_8 = vector.load %arg5[%get3A_6, %get3A_7] : memref<512x128xbf16, #tpu.memory_space<vmem>>, vector<512x128xbf16>
    %dot_general3A_9 = arith.constant dense<0.000000e+00> : vector<512x128xf32>
    %dot_general3A_10 = tpu.matmul %convert_element_type3A, %get3A_8, %dot_general3A_9 {dimension_numbers = #tpu.dot_dimension_numbers<[1], [0], [0], [1], [0, 0, 1, 1], [], []>, transpose_lhs_hint = false} : vector<512x512xbf16>, vector<512x128xbf16>, vector<512x128xf32> -> vector<512x128xf32>
    %get3A_11 = arith.constant 0 : index
    %get3A_12 = arith.constant 0 : index
    %get3A_13 = vector.load %arg2[%get3A_11, %get3A_12] : memref<512x10xf32, #tpu.memory_space<vmem>>, vector<512x5xf32>
    %convert_element_type3A_14 = arith.truncf %get3A_13 : vector<512x5xf32> to vector<512x5xbf16>
    %get3A_15 = arith.constant 0 : index
    %get3A_16 = arith.constant 0 : index
    %get3A_17 = vector.load %arg4[%get3A_15, %get3A_16] : memref<5x128xbf16, #tpu.memory_space<vmem>>, vector<5x128xbf16>
    %dot_general3A_18 = arith.constant dense<0.000000e+00> : vector<512x128xf32>
    %dot_general3A_19 = tpu.matmul %convert_element_type3A_14, %get3A_17, %dot_general3A_18 {dimension_numbers = #tpu.dot_dimension_numbers<[1], [0], [0], [1], [0, 0, 1, 1], [], []>, transpose_lhs_hint = false} : vector<512x5xbf16>, vector<5x128xbf16>, vector<512x128xf32> -> vector<512x128xf32>
    %get3A_20 = arith.constant 0 : index
    %get3A_21 = arith.constant 5 : index
    %get3A_22 = vector.load %arg2[%get3A_20, %get3A_21] : memref<512x10xf32, #tpu.memory_space<vmem>>, vector<512x5xf32>
    %convert_element_type3A_23 = arith.truncf %get3A_22 : vector<512x5xf32> to vector<512x5xbf16>
    %get3A_24 = arith.constant 0 : index
    %get3A_25 = arith.constant 0 : index
    %get3A_26 = vector.load %arg4[%get3A_24, %get3A_25] : memref<5x128xbf16, #tpu.memory_space<vmem>>, vector<5x128xbf16>
    %dot_general3A_27 = arith.constant dense<0.000000e+00> : vector<512x128xf32>
    %dot_general3A_28 = tpu.matmul %convert_element_type3A_23, %get3A_26, %dot_general3A_27 {dimension_numbers = #tpu.dot_dimension_numbers<[1], [0], [0], [1], [0, 0, 1, 1], [], []>, transpose_lhs_hint = false} : vector<512x5xbf16>, vector<5x128xbf16>, vector<512x128xf32> -> vector<512x128xf32>
    %get3A_29 = arith.constant 0 : index
    %get3A_30 = arith.constant 0 : index
    %get3A_31 = vector.load %arg6[%get3A_29, %get3A_30] : memref<1x128xf32, #tpu.memory_space<vmem>>, vector<1x128xf32>
    %get3A_32 = arith.constant 0 : index
    %get3A_33 = arith.constant 0 : index
    %get3A_34 = vector.load %arg7[%get3A_32, %get3A_33] : memref<1x128xf32, #tpu.memory_space<vmem>>, vector<1x128xf32>
    %add3A = arith.addf %dot_general3A_5, %dot_general3A_19 : vector<512x128xf32>
    %add3A_35 = vector.broadcast %get3A_31 : vector<1x128xf32> to vector<512x128xf32>
    %add3A_36 = arith.addf %add3A, %add3A_35 : vector<512x128xf32>
    %add3A_37 = arith.addf %dot_general3A_5, %dot_general3A_28 : vector<512x128xf32>
    %add3A_38 = vector.broadcast %get3A_31 : vector<1x128xf32> to vector<512x128xf32>
    %add3A_39 = arith.addf %add3A_37, %add3A_38 : vector<512x128xf32>
    %add3A_40 = vector.broadcast %get3A_34 : vector<1x128xf32> to vector<512x128xf32>
    %add3A_41 = arith.addf %dot_general3A_10, %add3A_40 : vector<512x128xf32>
    %concatenate3A = tpu.concatenate %add3A_36, %add3A_39, %add3A_41 in 1 : vector<512x128xf32>, vector<512x128xf32>, vector<512x128xf32> -> vector<512x384xf32>
    %convert_element_type3A_42 = arith.truncf %concatenate3A : vector<512x384xf32> to vector<512x384xbf16>
    %swap3A = arith.constant 0 : index
    %swap3A_43 = arith.constant 0 : index
    %swap3A_44 = vector.load %arg8[%swap3A, %swap3A_43] : memref<512x384xbf16, #tpu.memory_space<vmem>>, vector<512x384xbf16>
    tpu.vector_store %arg8[%swap3A, %swap3A_43], %convert_element_type3A_42 {strides = array<i32>} : memref<512x384xbf16, #tpu.memory_space<vmem>>, vector<512x384xbf16>,
    return
  }
  func.func @transform_0(%arg0: i32) -> (i32, i32) {
    %c0_i32 = arith.constant 0 : i32
    %c0_i32_0 = arith.constant 0 : i32
    return %arg0, %c0_i32 : i32, i32
  }
  func.func @transform_1(%arg0: i32) -> (i32, i32) {
    %c0_i32 = arith.constant 0 : i32
    %c0_i32_0 = arith.constant 0 : i32
    return %arg0, %c0_i32 : i32, i32
  }
  func.func @transform_2(%arg0: i32) -> (i32, i32) {
    %c0_i32 = arith.constant 0 : i32
    %c0_i32_0 = arith.constant 0 : i32
    %c0_i32_1 = arith.constant 0 : i32
    return %c0_i32, %c0_i32_0 : i32, i32
  }
  func.func @transform_3(%arg0: i32) -> (i32, i32) {
    %c0_i32 = arith.constant 0 : i32
    %c0_i32_0 = arith.constant 0 : i32
    %c0_i32_1 = arith.constant 0 : i32
    return %c0_i32, %c0_i32_0 : i32, i32
  }
  func.func @transform_4(%arg0: i32) -> (i32, i32) {
    %c0_i32 = arith.constant 0 : i32
    %c0_i32_0 = arith.constant 0 : i32
    %c0_i32_1 = arith.constant 0 : i32
    return %c0_i32, %c0_i32_0 : i32, i32
  }
  func.func @transform_5(%arg0: i32) -> (i32, i32) {
    %c0_i32 = arith.constant 0 : i32
    %c0_i32_0 = arith.constant 0 : i32
    %c0_i32_1 = arith.constant 0 : i32
    return %c0_i32, %c0_i32_0 : i32, i32
  }
  func.func @transform_6(%arg0: i32) -> (i32, i32) {
    %c0_i32 = arith.constant 0 : i32
    %c0_i32_0 = arith.constant 0 : i32
    %c0_i32_1 = arith.constant 0 : i32
    return %c0_i32, %c0_i32_0 : i32, i32
  }
  func.func @transform_7(%arg0: i32) -> (i32, i32) {
    %c0_i32 = arith.constant 0 : i32
    %c0_i32_0 = arith.constant 0 : i32
    return %arg0, %c0_i32 : i32, i32
  }
}

module attributes {stable_mosaic.version = 14 : i64} {
  func.func @_prop1_kernel(%arg0: i32, %arg1: memref<256x4096xf32, #tpu.memory_space<vmem>>, %arg2: memref<4096x384xbf16, #tpu.memory_space<vmem>>, %arg3: memref<128x512xbf16, #tpu.memory_space<vmem>>, %arg4: memref<128x512xbf16, #tpu.memory_space<vmem>>, %arg5: memref<1x512xf32, #tpu.memory_space<vmem>>, %arg6: memref<1x512xf32, #tpu.memory_space<vmem>>, %arg7: memref<256x1536xbf16, #tpu.memory_space<vmem>>) attributes {dimension_semantics = [#tpu.dimension_semantics<arbitrary>], iteration_bounds = array<i64: 16>, scalar_prefetch = 0 : i64, scratch_operands = 0 : i64, tpu.core_type = #tpu.core_type<tc>, window_params = [{transform_indices = @transform_0, window_bounds = array<i64: 256, 4096>}, {pipeline_mode = #tpu.pipeline_mode<synchronous>, transform_indices = @transform_1, window_bounds = array<i64: 4096, 384>}, {pipeline_mode = #tpu.pipeline_mode<synchronous>, transform_indices = @transform_2, window_bounds = array<i64: 128, 512>}, {pipeline_mode = #tpu.pipeline_mode<synchronous>, transform_indices = @transform_3, window_bounds = array<i64: 128, 512>}, {pipeline_mode = #tpu.pipeline_mode<synchronous>, transform_indices = @transform_4, window_bounds = array<i64: 1, 512>}, {pipeline_mode = #tpu.pipeline_mode<synchronous>, transform_indices = @transform_5, window_bounds = array<i64: 1, 512>}, {transform_indices = @transform_6, window_bounds = array<i64: 256, 1536>}]} {
    %get3A = arith.constant 0 : index
    %get3A_0 = arith.constant 0 : index
    %get3A_1 = vector.load %arg1[%get3A, %get3A_0] : memref<256x4096xf32, #tpu.memory_space<vmem>>, vector<256x4096xf32>
    %convert_element_type3A = arith.truncf %get3A_1 : vector<256x4096xf32> to vector<256x4096xbf16>
    %get3A_2 = arith.constant 0 : index
    %get3A_3 = arith.constant 0 : index
    %get3A_4 = vector.load %arg2[%get3A_2, %get3A_3] : memref<4096x384xbf16, #tpu.memory_space<vmem>>, vector<4096x384xbf16>
    %dot_general3A = arith.constant dense<0.000000e+00> : vector<256x384xf32>
    %dot_general3A_5 = tpu.matmul %convert_element_type3A, %get3A_4, %dot_general3A {dimension_numbers = #tpu.dot_dimension_numbers<[1], [0], [0], [1], [0, 0, 1, 1], [], []>, transpose_lhs_hint = false} : vector<256x4096xbf16>, vector<4096x384xbf16>, vector<256x384xf32> -> vector<256x384xf32>
    %max3A = arith.constant 0.000000e+00 : f32
    %max3A_6 = vector.broadcast %max3A : f32 to vector<256x384xf32>
    %max3A_7 = arith.maximumf %dot_general3A_5, %max3A_6 : vector<256x384xf32>
    %convert_element_type3A_8 = arith.truncf %max3A_7 : vector<256x384xf32> to vector<256x384xbf16>
    %slice3A = vector.extract_strided_slice %convert_element_type3A_8 {offsets = [0, 0], sizes = [256, 128], strides = [1, 1]} : vector<256x384xbf16> to vector<256x128xbf16>
    %get3A_9 = arith.constant 0 : index
    %get3A_10 = arith.constant 0 : index
    %get3A_11 = vector.load %arg3[%get3A_9, %get3A_10] : memref<128x512xbf16, #tpu.memory_space<vmem>>, vector<128x512xbf16>
    %dot_general3A_12 = arith.constant dense<0.000000e+00> : vector<256x512xf32>
    %dot_general3A_13 = tpu.matmul %slice3A, %get3A_11, %dot_general3A_12 {dimension_numbers = #tpu.dot_dimension_numbers<[1], [0], [0], [1], [0, 0, 1, 1], [], []>, transpose_lhs_hint = false} : vector<256x128xbf16>, vector<128x512xbf16>, vector<256x512xf32> -> vector<256x512xf32>
    %get3A_14 = arith.constant 0 : index
    %get3A_15 = arith.constant 0 : index
    %get3A_16 = vector.load %arg5[%get3A_14, %get3A_15] : memref<1x512xf32, #tpu.memory_space<vmem>>, vector<1x512xf32>
    %add3A = vector.broadcast %get3A_16 : vector<1x512xf32> to vector<256x512xf32>
    %add3A_17 = arith.addf %dot_general3A_13, %add3A : vector<256x512xf32>
    %slice3A_18 = vector.extract_strided_slice %convert_element_type3A_8 {offsets = [0, 128], sizes = [256, 128], strides = [1, 1]} : vector<256x384xbf16> to vector<256x128xbf16>
    %get3A_19 = arith.constant 0 : index
    %get3A_20 = arith.constant 0 : index
    %get3A_21 = vector.load %arg3[%get3A_19, %get3A_20] : memref<128x512xbf16, #tpu.memory_space<vmem>>, vector<128x512xbf16>
    %dot_general3A_22 = arith.constant dense<0.000000e+00> : vector<256x512xf32>
    %dot_general3A_23 = tpu.matmul %slice3A_18, %get3A_21, %dot_general3A_22 {dimension_numbers = #tpu.dot_dimension_numbers<[1], [0], [0], [1], [0, 0, 1, 1], [], []>, transpose_lhs_hint = false} : vector<256x128xbf16>, vector<128x512xbf16>, vector<256x512xf32> -> vector<256x512xf32>
    %get3A_24 = arith.constant 0 : index
    %get3A_25 = arith.constant 0 : index
    %get3A_26 = vector.load %arg5[%get3A_24, %get3A_25] : memref<1x512xf32, #tpu.memory_space<vmem>>, vector<1x512xf32>
    %add3A_27 = vector.broadcast %get3A_26 : vector<1x512xf32> to vector<256x512xf32>
    %add3A_28 = arith.addf %dot_general3A_23, %add3A_27 : vector<256x512xf32>
    %slice3A_29 = vector.extract_strided_slice %convert_element_type3A_8 {offsets = [0, 256], sizes = [256, 128], strides = [1, 1]} : vector<256x384xbf16> to vector<256x128xbf16>
    %get3A_30 = arith.constant 0 : index
    %get3A_31 = arith.constant 0 : index
    %get3A_32 = vector.load %arg4[%get3A_30, %get3A_31] : memref<128x512xbf16, #tpu.memory_space<vmem>>, vector<128x512xbf16>
    %dot_general3A_33 = arith.constant dense<0.000000e+00> : vector<256x512xf32>
    %dot_general3A_34 = tpu.matmul %slice3A_29, %get3A_32, %dot_general3A_33 {dimension_numbers = #tpu.dot_dimension_numbers<[1], [0], [0], [1], [0, 0, 1, 1], [], []>, transpose_lhs_hint = false} : vector<256x128xbf16>, vector<128x512xbf16>, vector<256x512xf32> -> vector<256x512xf32>
    %get3A_35 = arith.constant 0 : index
    %get3A_36 = arith.constant 0 : index
    %get3A_37 = vector.load %arg6[%get3A_35, %get3A_36] : memref<1x512xf32, #tpu.memory_space<vmem>>, vector<1x512xf32>
    %add3A_38 = vector.broadcast %get3A_37 : vector<1x512xf32> to vector<256x512xf32>
    %add3A_39 = arith.addf %dot_general3A_34, %add3A_38 : vector<256x512xf32>
    %concatenate3A = tpu.concatenate %add3A_17, %add3A_28, %add3A_39 in 1 : vector<256x512xf32>, vector<256x512xf32>, vector<256x512xf32> -> vector<256x1536xf32>
    %convert_element_type3A_40 = arith.truncf %concatenate3A : vector<256x1536xf32> to vector<256x1536xbf16>
    %swap3A = arith.constant 0 : index
    %swap3A_41 = arith.constant 0 : index
    %swap3A_42 = vector.load %arg7[%swap3A, %swap3A_41] : memref<256x1536xbf16, #tpu.memory_space<vmem>>, vector<256x1536xbf16>
    tpu.vector_store %arg7[%swap3A, %swap3A_41], %convert_element_type3A_40 {strides = array<i32>} : memref<256x1536xbf16, #tpu.memory_space<vmem>>, vector<256x1536xbf16>,
    return
  }
  func.func @transform_0(%arg0: i32) -> (i32, i32) {
    %c0_i32 = arith.constant 0 : i32
    %c0_i32_0 = arith.constant 0 : i32
    return %arg0, %c0_i32 : i32, i32
  }
  func.func @transform_1(%arg0: i32) -> (i32, i32) {
    %c0_i32 = arith.constant 0 : i32
    %c0_i32_0 = arith.constant 0 : i32
    %c0_i32_1 = arith.constant 0 : i32
    return %c0_i32, %c0_i32_0 : i32, i32
  }
  func.func @transform_2(%arg0: i32) -> (i32, i32) {
    %c0_i32 = arith.constant 0 : i32
    %c0_i32_0 = arith.constant 0 : i32
    %c0_i32_1 = arith.constant 0 : i32
    return %c0_i32, %c0_i32_0 : i32, i32
  }
  func.func @transform_3(%arg0: i32) -> (i32, i32) {
    %c0_i32 = arith.constant 0 : i32
    %c0_i32_0 = arith.constant 0 : i32
    %c0_i32_1 = arith.constant 0 : i32
    return %c0_i32, %c0_i32_0 : i32, i32
  }
  func.func @transform_4(%arg0: i32) -> (i32, i32) {
    %c0_i32 = arith.constant 0 : i32
    %c0_i32_0 = arith.constant 0 : i32
    %c0_i32_1 = arith.constant 0 : i32
    return %c0_i32, %c0_i32_0 : i32, i32
  }
  func.func @transform_5(%arg0: i32) -> (i32, i32) {
    %c0_i32 = arith.constant 0 : i32
    %c0_i32_0 = arith.constant 0 : i32
    %c0_i32_1 = arith.constant 0 : i32
    return %c0_i32, %c0_i32_0 : i32, i32
  }
  func.func @transform_6(%arg0: i32) -> (i32, i32) {
    %c0_i32 = arith.constant 0 : i32
    %c0_i32_0 = arith.constant 0 : i32
    return %arg0, %c0_i32 : i32, i32
  }
}

module attributes {stable_mosaic.version = 14 : i64} {
  func.func @_prop2_kernel(%arg0: i32, %arg1: memref<256x4096xf32, #tpu.memory_space<vmem>>, %arg2: memref<4096x1536xbf16, #tpu.memory_space<vmem>>, %arg3: memref<256x512xf32, #tpu.memory_space<vmem>>, %arg4: memref<256x1024xf32, #tpu.memory_space<vmem>>, %arg5: memref<256x1024xf32, #tpu.memory_space<vmem>>, %arg6: memref<256x1024xf32, #tpu.memory_space<vmem>>, %arg7: memref<256x512xf32, #tpu.memory_space<vmem>>, %arg8: memref<256x512xf32, #tpu.memory_space<vmem>>, %arg9: memref<256x512xf32, #tpu.memory_space<vmem>>) attributes {dimension_semantics = [#tpu.dimension_semantics<arbitrary>], iteration_bounds = array<i64: 16>, scalar_prefetch = 0 : i64, scratch_operands = 0 : i64, tpu.core_type = #tpu.core_type<tc>, window_params = [{transform_indices = @transform_0, window_bounds = array<i64: 256, 4096>}, {pipeline_mode = #tpu.pipeline_mode<synchronous>, transform_indices = @transform_1, window_bounds = array<i64: 4096, 1536>}, {transform_indices = @transform_2, window_bounds = array<i64: 256, 512>}, {transform_indices = @transform_3, window_bounds = array<i64: 256, 1024>}, {transform_indices = @transform_4, window_bounds = array<i64: 256, 1024>}, {transform_indices = @transform_5, window_bounds = array<i64: 256, 1024>}, {transform_indices = @transform_6, window_bounds = array<i64: 256, 512>}, {transform_indices = @transform_7, window_bounds = array<i64: 256, 512>}, {transform_indices = @transform_8, window_bounds = array<i64: 256, 512>}]} {
    %get3A = arith.constant 0 : index
    %get3A_0 = arith.constant 0 : index
    %get3A_1 = vector.load %arg1[%get3A, %get3A_0] : memref<256x4096xf32, #tpu.memory_space<vmem>>, vector<256x4096xf32>
    %convert_element_type3A = arith.truncf %get3A_1 : vector<256x4096xf32> to vector<256x4096xbf16>
    %get3A_2 = arith.constant 0 : index
    %get3A_3 = arith.constant 0 : index
    %get3A_4 = vector.load %arg2[%get3A_2, %get3A_3] : memref<4096x1536xbf16, #tpu.memory_space<vmem>>, vector<4096x1536xbf16>
    %dot_general3A = arith.constant dense<0.000000e+00> : vector<256x1536xf32>
    %dot_general3A_5 = tpu.matmul %convert_element_type3A, %get3A_4, %dot_general3A {dimension_numbers = #tpu.dot_dimension_numbers<[1], [0], [0], [1], [0, 0, 1, 1], [], []>, transpose_lhs_hint = false} : vector<256x4096xbf16>, vector<4096x1536xbf16>, vector<256x1536xf32> -> vector<256x1536xf32>
    %slice3A = vector.extract_strided_slice %dot_general3A_5 {offsets = [0, 0], sizes = [256, 512], strides = [1, 1]} : vector<256x1536xf32> to vector<256x512xf32>
    %slice3A_6 = vector.extract_strided_slice %dot_general3A_5 {offsets = [0, 512], sizes = [256, 512], strides = [1, 1]} : vector<256x1536xf32> to vector<256x512xf32>
    %slice3A_7 = vector.extract_strided_slice %dot_general3A_5 {offsets = [0, 1024], sizes = [256, 512], strides = [1, 1]} : vector<256x1536xf32> to vector<256x512xf32>
    %mul3A = arith.constant 5.000000e-01 : f32
    %mul3A_8 = vector.broadcast %mul3A : f32 to vector<256x512xf32>
    %mul3A_9 = arith.mulf %mul3A_8, %slice3A_7 : vector<256x512xf32>
    %exp3A = math.exp %mul3A_9 : vector<256x512xf32>
    %get3A_10 = arith.constant 0 : index
    %get3A_11 = arith.constant 0 : index
    %get3A_12 = vector.load %arg3[%get3A_10, %get3A_11] : memref<256x512xf32, #tpu.memory_space<vmem>>, vector<256x512xf32>
    %mul3A_13 = arith.mulf %exp3A, %get3A_12 : vector<256x512xf32>
    %add3A = arith.addf %slice3A, %mul3A_13 : vector<256x512xf32>
    %concatenate3A = tpu.concatenate %slice3A_6, %slice3A in 1 : vector<256x512xf32>, vector<256x512xf32> -> vector<256x1024xf32>
    %swap3A = arith.constant 0 : index
    %swap3A_14 = arith.constant 0 : index
    %swap3A_15 = vector.load %arg4[%swap3A, %swap3A_14] : memref<256x1024xf32, #tpu.memory_space<vmem>>, vector<256x1024xf32>
    tpu.vector_store %arg4[%swap3A, %swap3A_14], %concatenate3A {strides = array<i32>} : memref<256x1024xf32, #tpu.memory_space<vmem>>, vector<256x1024xf32>,
    %concatenate3A_16 = tpu.concatenate %exp3A, %exp3A in 1 : vector<256x512xf32>, vector<256x512xf32> -> vector<256x1024xf32>
    %swap3A_17 = arith.constant 0 : index
    %swap3A_18 = arith.constant 0 : index
    %swap3A_19 = vector.load %arg5[%swap3A_17, %swap3A_18] : memref<256x1024xf32, #tpu.memory_space<vmem>>, vector<256x1024xf32>
    tpu.vector_store %arg5[%swap3A_17, %swap3A_18], %concatenate3A_16 {strides = array<i32>} : memref<256x1024xf32, #tpu.memory_space<vmem>>, vector<256x1024xf32>,
    %concatenate3A_20 = tpu.concatenate %add3A, %add3A in 1 : vector<256x512xf32>, vector<256x512xf32> -> vector<256x1024xf32>
    %swap3A_21 = arith.constant 0 : index
    %swap3A_22 = arith.constant 0 : index
    %swap3A_23 = vector.load %arg6[%swap3A_21, %swap3A_22] : memref<256x1024xf32, #tpu.memory_space<vmem>>, vector<256x1024xf32>
    tpu.vector_store %arg6[%swap3A_21, %swap3A_22], %concatenate3A_20 {strides = array<i32>} : memref<256x1024xf32, #tpu.memory_space<vmem>>, vector<256x1024xf32>,
    %swap3A_24 = arith.constant 0 : index
    %swap3A_25 = arith.constant 0 : index
    %swap3A_26 = vector.load %arg7[%swap3A_24, %swap3A_25] : memref<256x512xf32, #tpu.memory_space<vmem>>, vector<256x512xf32>
    tpu.vector_store %arg7[%swap3A_24, %swap3A_25], %slice3A_7 {strides = array<i32>} : memref<256x512xf32, #tpu.memory_space<vmem>>, vector<256x512xf32>,
    %swap3A_27 = arith.constant 0 : index
    %swap3A_28 = arith.constant 0 : index
    %swap3A_29 = vector.load %arg8[%swap3A_27, %swap3A_28] : memref<256x512xf32, #tpu.memory_space<vmem>>, vector<256x512xf32>
    tpu.vector_store %arg8[%swap3A_27, %swap3A_28], %add3A {strides = array<i32>} : memref<256x512xf32, #tpu.memory_space<vmem>>, vector<256x512xf32>,
    %swap3A_30 = arith.constant 0 : index
    %swap3A_31 = arith.constant 0 : index
    %swap3A_32 = vector.load %arg9[%swap3A_30, %swap3A_31] : memref<256x512xf32, #tpu.memory_space<vmem>>, vector<256x512xf32>
    tpu.vector_store %arg9[%swap3A_30, %swap3A_31], %slice3A {strides = array<i32>} : memref<256x512xf32, #tpu.memory_space<vmem>>, vector<256x512xf32>,
    return
  }
  func.func @transform_0(%arg0: i32) -> (i32, i32) {
    %c0_i32 = arith.constant 0 : i32
    %c0_i32_0 = arith.constant 0 : i32
    return %arg0, %c0_i32 : i32, i32
  }
  func.func @transform_1(%arg0: i32) -> (i32, i32) {
    %c0_i32 = arith.constant 0 : i32
    %c0_i32_0 = arith.constant 0 : i32
    %c0_i32_1 = arith.constant 0 : i32
    return %c0_i32, %c0_i32_0 : i32, i32
  }
  func.func @transform_2(%arg0: i32) -> (i32, i32) {
    %c0_i32 = arith.constant 0 : i32
    %c0_i32_0 = arith.constant 0 : i32
    return %arg0, %c0_i32 : i32, i32
  }
  func.func @transform_3(%arg0: i32) -> (i32, i32) {
    %c0_i32 = arith.constant 0 : i32
    %c0_i32_0 = arith.constant 0 : i32
    return %arg0, %c0_i32 : i32, i32
  }
  func.func @transform_4(%arg0: i32) -> (i32, i32) {
    %c0_i32 = arith.constant 0 : i32
    %c0_i32_0 = arith.constant 0 : i32
    return %arg0, %c0_i32 : i32, i32
  }
  func.func @transform_5(%arg0: i32) -> (i32, i32) {
    %c0_i32 = arith.constant 0 : i32
    %c0_i32_0 = arith.constant 0 : i32
    return %arg0, %c0_i32 : i32, i32
  }
  func.func @transform_6(%arg0: i32) -> (i32, i32) {
    %c0_i32 = arith.constant 0 : i32
    %c0_i32_0 = arith.constant 0 : i32
    return %arg0, %c0_i32 : i32, i32
  }
  func.func @transform_7(%arg0: i32) -> (i32, i32) {
    %c0_i32 = arith.constant 0 : i32
    %c0_i32_0 = arith.constant 0 : i32
    return %arg0, %c0_i32 : i32, i32
  }
  func.func @transform_8(%arg0: i32) -> (i32, i32) {
    %c0_i32 = arith.constant 0 : i32
    %c0_i32_0 = arith.constant 0 : i32
    return %arg0, %c0_i32 : i32, i32
  }
}

module attributes {stable_mosaic.version = 14 : i64} {
  func.func @_decode_kernel(%arg0: i32, %arg1: memref<256x512xbf16, #tpu.memory_space<vmem>>, %arg2: memref<512x4096xbf16, #tpu.memory_space<vmem>>, %arg3: memref<512x512xbf16, #tpu.memory_space<vmem>>, %arg4: memref<256x4096xf32, #tpu.memory_space<vmem>>, %arg5: memref<256x512xf32, #tpu.memory_space<vmem>>) attributes {dimension_semantics = [#tpu.dimension_semantics<arbitrary>], iteration_bounds = array<i64: 16>, scalar_prefetch = 0 : i64, scratch_operands = 0 : i64, tpu.core_type = #tpu.core_type<tc>, window_params = [{transform_indices = @transform_0, window_bounds = array<i64: 256, 512>}, {pipeline_mode = #tpu.pipeline_mode<synchronous>, transform_indices = @transform_1, window_bounds = array<i64: 512, 4096>}, {pipeline_mode = #tpu.pipeline_mode<synchronous>, transform_indices = @transform_2, window_bounds = array<i64: 512, 512>}, {transform_indices = @transform_3, window_bounds = array<i64: 256, 4096>}, {transform_indices = @transform_4, window_bounds = array<i64: 256, 512>}]} {
    %get3A = arith.constant 0 : index
    %get3A_0 = arith.constant 0 : index
    %get3A_1 = vector.load %arg1[%get3A, %get3A_0] : memref<256x512xbf16, #tpu.memory_space<vmem>>, vector<256x512xbf16>
    %get3A_2 = arith.constant 0 : index
    %get3A_3 = arith.constant 0 : index
    %get3A_4 = vector.load %arg2[%get3A_2, %get3A_3] : memref<512x4096xbf16, #tpu.memory_space<vmem>>, vector<512x4096xbf16>
    %dot_general3A = arith.constant dense<0.000000e+00> : vector<256x4096xf32>
    %dot_general3A_5 = tpu.matmul %get3A_1, %get3A_4, %dot_general3A {dimension_numbers = #tpu.dot_dimension_numbers<[1], [0], [0], [1], [0, 0, 1, 1], [], []>, transpose_lhs_hint = false} : vector<256x512xbf16>, vector<512x4096xbf16>, vector<256x4096xf32> -> vector<256x4096xf32>
    %swap3A = arith.constant 0 : index
    %swap3A_6 = arith.constant 0 : index
    %swap3A_7 = vector.load %arg4[%swap3A, %swap3A_6] : memref<256x4096xf32, #tpu.memory_space<vmem>>, vector<256x4096xf32>
    tpu.vector_store %arg4[%swap3A, %swap3A_6], %dot_general3A_5 {strides = array<i32>} : memref<256x4096xf32, #tpu.memory_space<vmem>>, vector<256x4096xf32>,
    %get3A_8 = arith.constant 0 : index
    %get3A_9 = arith.constant 0 : index
    %get3A_10 = vector.load %arg3[%get3A_8, %get3A_9] : memref<512x512xbf16, #tpu.memory_space<vmem>>, vector<512x512xbf16>
    %dot_general3A_11 = arith.constant dense<0.000000e+00> : vector<256x512xf32>
    %dot_general3A_12 = tpu.matmul %get3A_1, %get3A_10, %dot_general3A_11 {dimension_numbers = #tpu.dot_dimension_numbers<[1], [0], [0], [1], [0, 0, 1, 1], [], []>, transpose_lhs_hint = false} : vector<256x512xbf16>, vector<512x512xbf16>, vector<256x512xf32> -> vector<256x512xf32>
    %swap3A_13 = arith.constant 0 : index
    %swap3A_14 = arith.constant 0 : index
    %swap3A_15 = vector.load %arg5[%swap3A_13, %swap3A_14] : memref<256x512xf32, #tpu.memory_space<vmem>>, vector<256x512xf32>
    tpu.vector_store %arg5[%swap3A_13, %swap3A_14], %dot_general3A_12 {strides = array<i32>} : memref<256x512xf32, #tpu.memory_space<vmem>>, vector<256x512xf32>,
    return
  }
  func.func @transform_0(%arg0: i32) -> (i32, i32) {
    %c0_i32 = arith.constant 0 : i32
    %c0_i32_0 = arith.constant 0 : i32
    return %arg0, %c0_i32 : i32, i32
  }
  func.func @transform_1(%arg0: i32) -> (i32, i32) {
    %c0_i32 = arith.constant 0 : i32
    %c0_i32_0 = arith.constant 0 : i32
    %c0_i32_1 = arith.constant 0 : i32
    return %c0_i32, %c0_i32_0 : i32, i32
  }
  func.func @transform_2(%arg0: i32) -> (i32, i32) {
    %c0_i32 = arith.constant 0 : i32
    %c0_i32_0 = arith.constant 0 : i32
    %c0_i32_1 = arith.constant 0 : i32
    return %c0_i32, %c0_i32_0 : i32, i32
  }
  func.func @transform_3(%arg0: i32) -> (i32, i32) {
    %c0_i32 = arith.constant 0 : i32
    %c0_i32_0 = arith.constant 0 : i32
    return %arg0, %c0_i32 : i32, i32
  }
  func.func @transform_4(%arg0: i32) -> (i32, i32) {
    %c0_i32 = arith.constant 0 : i32
    %c0_i32_0 = arith.constant 0 : i32
    return %arg0, %c0_i32 : i32, i32
  }
}

</mosaic_0001>

<sc_bundles>
// kernel: sparse-core-data-format-call.cloned.1.call-start
scs
called_computation_lowered:
.L_overlay_start_0:
0x0: {  	s2 =	sld [smem:$0x3FD9]  }
0x1: {  	s3 =	sld [smem:$0x3FFE];
	_ =	sdelay $0x1  }
0x2: {  	s1 =	srdreg.scid  }
0x3: {  	s0 =	sand.u32 $0x1, s1  }
0x4: {  	s15 =	sshll.u32 s0, $0xA;
	s2 =	sadd.s32 s3, s2  }
0x5: {  	s2 =	sadd.s32 s2, s15  }
0x6: {  	[smem:$0x3FB6] =	sst s2  }
0x7: {  	_ = 	snop  }
0x8: {  	s2 =	sld [smem:$0x3FD0];
	_ =	sdelay $0x3  }
0x9: {  	s16 =	simm.s32 $0xA;
	s4 =	simm.s32 $0x10;
	s2 =	sadd.s32 $0x1, s2  }
0xa: {  	[smem:s4], [sflag:s16] =	dma.local [hbm:s2], $0x1  }
0xb: {  	_ =	swait.eq [sflag:s16], $0x1  }
0xc: {  	[sflag:s16] =	ssyncset.done $0x0  }
0xd: {  	[sflag:s16] =	ssyncadd.s32 $0xFFFFFFFF  }
0xe: {  	s17 =	sld [smem:$0x12];
	(tm) =	ssettm $0x1  }
0xf: {  	s18 =	sld [smem:$0x3FFB];
	_ =	sdelay $0x3  }
0x10: {  	_ =	strace s18  }
0x11: {  	s3 =	sld [smem:$0x3FFC];
	_ =	sdelay $0x3  }
0x12: {  	_ =	strace s3  }
0x13: {  	s3 =	sld [smem:$0x3FFD];
	_ =	sdelay $0x3  }
0x14: {  	_ =	strace s3  }
0x15: {  	_ =	strace $0x8FFFFFFF  }
0x16: {  	s19 =	sld [smem:$0x3FDB];
	_ =	sdelay $0x1  }
0x17: {  	s20 =	simm.s32 $_scs_section_size  }
0x18: {  	s5 =	simm.s32 $_size__tile_overlayer_lowered;
	s6 =	simm.s32 $_tile_overlayer_lowered  }
0x19: {  	s23 =	simm.s32 $0x1BFF;
	s22 =	sshll.u32 s6, $0x1;
	s3 =	sadd.s32 s20, s19  }
0x1a: {  	s7 =	simm.s32 $0x0;
	s21 =	sshll.u32 s5, $0x1;
	s5 =	sadd.s32 s22, s3  }
0x1b: {  	[timem:s7], [sflag:s23] =	dma.local [hbm:s5], s21  }
0x1c: {  	_ =	swait.ge [sflag:s23], s21  }
0x1d: {  	s4 =	ssub.s32 $0x0, s21;
	[sflag:s23] =	ssyncset.done $0x0  }
0x1e: {  	[sflag:s23] =	ssyncadd.s32 s4;
	_ =	sdelay $0x1  }
0x1f: {  	s24 =	simm.s32 $0x1B8B  }
0x20: {  	_ =	swait.ge [sflag:s24], $0x1  }
0x21: {  	[sflag:s24] =	ssyncset.done $0x0  }
0x22: {  	s26 =	simm.s32 $0x1B8E;
	s25 =	sld [smem:$0x3FFE];
	[sflag:s24] =	ssyncadd.s32 $0xFFFFFFFF  }
0x23: {  	s27 =	simm.s32 $execute0_lowered;
	[smem:$0x3FD2] =	sst s26  }
0x24: {  	s5 =	sshll.u32 s27, $0x1;
	_ =	strace $0x80000046;
	[dreg:$0x1] =	wrdreg $0xFFFFFFFF  }
0x25: {  	s28 =	simm.s32 $_size_execute0_lowered;
	s3 =	sadd.s32 s3, s5;
	[dreg:$0x0] =	wrdreg $0x0  }
0x26: {  	s5 =	sshll.u32 s28, $0x1;
	[dreg:$0x2] =	wrdreg s3  }
0x27: {  	[dreg:$0x3] =	wrdreg s5  }
0x28: {  	[dreg:$0x4] =	wrdreg $0xC0  }
0x29: {  	_ =	task [dreg:s7], $0x5FFFF  }
0x2a: {  	[dreg:$0x1] =	wrdreg $0xFFFFFFFF  }
0x2b: {  	[dreg:$0x0] =	wrdreg $0x60  }
0x2c: {  	[dreg:$0x2] =	wrdreg s25  }
0x2d: {  	[dreg:$0x3] =	wrdreg s17  }
0x2e: {  	[dreg:$0x4] =	wrdreg $0x9  }
0x2f: {  	_ =	task.clear_ibuf [dreg:s7], $0x5FFFF;
	_ =	strace $0x90000046  }
0x30: {  	s29 =	simm.s32 $0x9;
	_ =	strace $0x80000048  }
0x31: {  	_ =	swait.ge [sflag:s29], $0x1  }
0x32: {  	[sflag:s29] =	ssyncadd.s32 $0xFFFFFFFF  }
0x33: {  	_ =	strace $0x90000048  }
0x34: {  	_ =	sfence  }
0x35: {  	s30 =	sld [smem:$0x0];
	_ =	sdelay $0x2  }
0x36: {  	s31 =	sshll.u32 s1, $0xD;
	s1 =	sshrl.u32 s1, $0x2  }
0x37: {  	s3 =	sand.u32 $0x4000, s31;
	s1 =	sadd.s32 s1, s30  }
0x38: {  	s0 =	sor.u32 s3, s0;
	s1 =	sshll.u32 s1, $0x11  }
0x39: {  	s0 =	sor.u32 s1, s0  }
0x3a: {  	s0 =	sadd.s32 $0x8F2B, s0  }
0x3b: {  	[sflag:s0] =	ssyncadd.remote.s32 $0x1  }
0x3c: {  	_ =	sfence.sel $0xFFFF  }
0x3d: {  	[dreg:$0x0] =	wrdreg $0xFFFFFFFF;
	(pc) =	sbr.abs _section_cstart, $3  }
0x3e: {  	[dreg:$0x1] =	wrdreg $0xFFFFFFFF  }
0x3f: {  	_ =	task.clear_ibuf [dreg:s7], $0x2FFFF;
	_ =	strace $0x9FFFFFFF  }
0x40: {  	(tm) =	ssettm $0x7FFFFFFF  }
0x41: {  	_ =	shalt  }
tec
execute0_lowered:
.L_overlay_start_1:
0x0: {  	(tag) =	ssettag $0x1  }
0x1: {  	s0 =	srdreg.scid;
	s4 =	rddreg [dreg:$0x0]  }
0x2: {  	s2 =	rddreg [dreg:$0x1];
	s7 =	simm.s32 $0x1;
	s1 =	sshll.u32 s0, $0x4  }
0x3: {  	s8 =	simm.s32 $0x2;
	s0 =	stileid.u32;
	s1 =	sand.u32 $0x10, s1  }
0x4: {  	s13 =	simm.s32 $0x0;
	s9 =	simm.s32 $0x0;
	s1 =	sor.u32 s0, s1  }
0x5: {  	s14 =	simm.s32 $0x0;
	s10 =	simm.s32 $0x0;
	s3 =	sshll.u32 s1, $0x3  }
0x6: {  	s12 =	simm.s32 $0x0;
	s4 =	sadd.s32 $0x107000, s4;
	s6 =	ssub.s32 $0x1000, s3  }
.Ltmp0:
0x7: {  	s1 =	rddreg [dreg:$0x2];
	s5 =	sand.u32 $0xF8, s6;
	(pc) =	sbr.rel .LBB1_1-.Ltmp0, $4  }
0x8: {  	_ =	strace $0x80000047;
	p0 =	sne.s32 s5, $0x0;
	s5 =	simm.s32 $0x1  }
0x9: {  	s6 =	sshrl.u32 s6, $0x8;
	s7 =	simm.s32 @!p0 $0x0;
	[sflag:s5] =	ssyncpa.u1 $0x0  }
0xa: {  	s11 =	smov.u32 s3;
	s7 =	sadd.s32 s7, s6;
	[sflag:s8] =	ssyncpa.u1 $0x0  }
0xb: {  	s8 =	simm.s32 $0x1000;
	s6 =	sshll.u32 s7, $0x1;
	s7 =	sshllo.u32 s7, $0x1  }
.LBB1_7:
0xc: {  	s15 =	sadd.s32 $0x800, s10  }
0xd: {  	s13 =	sadd.s32 $0x100, s11;
	s17 =	smov.u32 s11;
	p1 =	sgt.s32 s15, $0xFFF  }
0xe: {  	s17 =	smov.u32 @p1 s13  }
0xf: {  	s15 =	simm.s32 @p1 $0x0;
	p1 =	sgt.s32 s17, $0xFFF  }
0x10: {  	s17 =	smov.u32 @p1 s3;
	p1 =	sne.s32 s12, s7  }
.Ltmp1:
0x11: {  	p0 =	slt.u32 s12, $0x2;
	(pc) =	sbr.rel @!p1 .LBB1_8-.Ltmp1, $4  }
0x12: {  	s16 =	simm.s32 @!p0 $0x2  }
0x13: {  	s14 =	smov.u32 s11;
	s9 =	sadd.s32 $0x4000, s9;
	_ =	swait.ge @!p0 [sflag:s16], $0x4000  }
0x14: {  	s13 =	smov.u32 s10;
	[sflag:s16] =	ssyncset.done @!p0 $0x0;
	s10 =	smov.u32 s15  }
0x15: {  	s12 =	sadd.s32 $0x1, s12;
	[sflag:s16] =	ssyncadd.s32 @!p0 $0xFFFFC000;
	s11 =	smov.u32 s17  }
.LBB1_1:
0x16: {  	p0 =	sge.u32 s12, s6  }
0x17: {  	s15 =	sand.u32 @!p0 $0x78, s10;
	s16 =	sshll.u32 @!p0 s11, $0xC;
	s17 =	sshll.u32 @!p0 s11, $0x7  }
0x18: {  	s18 =	sshll.u32 @!p0 s10, $0x3;
	s16 =	sand.u32 @!p0 $0xFF8000, s16;
	s17 =	sand.u32 @!p0 $0x380, s17  }
0x19: {  	s16 =	sadd.s32 @!p0 s16, s18;
	s18 =	sand.u32 @!p0 $0xC00, s18;
	s15 =	sor.u32 @!p0 s17, s15  }
0x1a: {  	s16 =	sand.u32 @!p0 $0xFFF000, s16;
	s15 =	sor.u32 @!p0 s18, s15  }
0x1b: {  	s17 =	sxor.u32 @!p0 $0xFFFFFFFF, s12;
	s15 =	sor.u32 @!p0 s16, s15  }
0x1c: {  	s31 =	sadd.s32 $0xFFFFFFFF, s12;
	s16 =	sshll.u32 @!p0 s17, $0xE;
	s15 =	sshrl.u32 @!p0 s15, $0x3  }
0x1d: {  	s17 =	sand.u32 @!p0 $0x7, s10;
	s16 =	sand.u32 @!p0 $0x4000, s16;
	s15 =	sadd.s32 @!p0 s4, s15  }
0x1e: {  	[tilespmem:s16], [sflag:$0x1] =	stream.linear.gather @!p0 [hbm4b:s15+s17], $0x4000, $0x38;
	[tilespmem:$0x10000] =	vst v63  }
0x1f: {  	p0 =	sge.u32 s31, s6  }
.Ltmp2:
0x20: {  	_ = 	snop;
	(pc) =	sbr.rel @p0 .LBB1_7-.Ltmp2, $1  }
0x21: {  	_ =	sdelay $0x3  }
0x22: {  	s15 =	sand.u32 $0x4000, s9  }
0x23: {  	_ =	swait.ge [sflag:s5], $0x4000;
	s18 =	sshll.u32 s12, $0xE;
	s16 =	sor.u32 $0x8100, s15  }
0x24: {  	s17 =	sor.u32 $0x800, s15;
	[sflag:s5] =	ssyncset.done $0x0;
	s31 =	sand.u32 $0x4000, s18  }
0x25: {  	s18 =	simm.s32 $0x0;
	[sflag:s5] =	ssyncadd.s32 $0xFFFFC000;
	s15 =	sor.u32 $0x8000, s31  }
.LBB1_3:
0x26: {  	v0 =	vld [tilespmem:s17+$0x470]  }
0x27: {  	v1 =	vld [tilespmem:s17+$0xFFFFF810]  }
0x28: {  	v2 =	vld [tilespmem:s17+$0xFFFFF820]  }
0x29: {  	v3 =	vld [tilespmem:s17+$0xFFFFF830]  }
0x2a: {  	v4 =	vld [tilespmem:s17+$0xFFFFF840]  }
0x2b: {  	v5 =	vld [tilespmem:s17+$0xFFFFF850];
	[tilespmem:s16+$0xF0] =	vst v0  }
0x2c: {  	[tilespmem:s16+$0xFFFFFF10] =	vst v1;
	v0 =	vld [tilespmem:s17+$0xFFFFF860]  }
0x2d: {  	[tilespmem:s16+$0xFFFFFF20] =	vst v2;
	v1 =	vld [tilespmem:s17+$0xFFFFF870]  }
0x2e: {  	[tilespmem:s16+$0xFFFFFF30] =	vst v3;
	v2 =	vld [tilespmem:s17+$0xFFFFFC00]  }
0x2f: {  	[tilespmem:s16+$0xFFFFFF40] =	vst v4;
	v3 =	vld [tilespmem:s17+$0xFFFFFC10]  }
0x30: {  	[tilespmem:s16+$0xFFFFFF50] =	vst v5;
	v4 =	vld [tilespmem:s17+$0xFFFFFC20]  }
0x31: {  	v5 =	vld [tilespmem:s17+$0x420];
	[tilespmem:s16+$0xFFFFFF60] =	vst v0  }
0x32: {  	v0 =	vld [tilespmem:s17+$0xFFFFFC30];
	[tilespmem:s16+$0xFFFFFF70] =	vst v1  }
0x33: {  	v1 =	vld [tilespmem:s17+$0xFFFFFC40];
	[tilespmem:s16+$0xFFFFFF80] =	vst v2  }
0x34: {  	[tilespmem:s16+$0xFFFFFF90] =	vst v3;
	v3 =	vld [tilespmem:s17+$0xFFFFFC60]  }
0x35: {  	[tilespmem:s16+$0xFFFFFFA0] =	vst v4;
	v4 =	vld [tilespmem:s17+$0xFFFFFC70]  }
0x36: {  	v2 =	vld [tilespmem:s17+$0xFFFFFC50];
	[tilespmem:s16+$0xA0] =	vst v5  }
0x37: {  	[tilespmem:s16+$0xFFFFFFB0] =	vst v0;
	v0 =	vld [tilespmem:s17+$0x0]  }
0x38: {  	[tilespmem:s16+$0xFFFFFFC0] =	vst v1;
	v1 =	vld [tilespmem:s17+$0x10]  }
0x39: {  	[tilespmem:s16+$0xFFFFFFE0] =	vst v3;
	v3 =	vld [tilespmem:s17+$0x30]  }
0x3a: {  	[tilespmem:s16+$0xFFFFFFF0] =	vst v4;
	v4 =	vld [tilespmem:s17+$0x40]  }
0x3b: {  	[tilespmem:s16+$0xFFFFFFD0] =	vst v2;
	v2 =	vld [tilespmem:s17+$0x20]  }
0x3c: {  	[tilespmem:s16+$0x0] =	vst v0;
	v0 =	vld [tilespmem:s17+$0x50]  }
0x3d: {  	[tilespmem:s16+$0x10] =	vst v1;
	v1 =	vld [tilespmem:s17+$0x60]  }
0x3e: {  	[tilespmem:s16+$0x30] =	vst v3;
	v3 =	vld [tilespmem:s17+$0x400]  }
0x3f: {  	[tilespmem:s16+$0x40] =	vst v4;
	v4 =	vld [tilespmem:s17+$0x410]  }
0x40: {  	[tilespmem:s16+$0x20] =	vst v2;
	v2 =	vld [tilespmem:s17+$0x70]  }
0x41: {  	[tilespmem:s16+$0x50] =	vst v0;
	v0 =	vld [tilespmem:s17+$0x430]  }
0x42: {  	[tilespmem:s16+$0x60] =	vst v1;
	v1 =	vld [tilespmem:s17+$0x440]  }
0x43: {  	[tilespmem:s16+$0x80] =	vst v3;
	v3 =	vld [tilespmem:s17+$0x450]  }
0x44: {  	[tilespmem:s16+$0x90] =	vst v4;
	v4 =	vld [tilespmem:s17+$0x460]  }
0x45: {  	s20 =	simm.s32 $0x0;
	s21 =	sadd.s32 $0x1000, s17;
	s19 =	smov.u32 s16;
	[tilespmem:s16+$0x70] =	vst v2;
	v2 =	vld [tilespmem:s17+$0xFFFFF800]  }
.LBB1_4:
0x46: {  	v5 =	vld [tilespmem:s21+$0x470];
	s20 =	sadd.s32 $0x200, s20;
	[tilespmem:s19+$0xB0] =	vst v0  }
0x47: {  	v0 =	vld [tilespmem:s21+$0xFFFFF810];
	p0 =	slt.u32 s20, $0x600;
	[tilespmem:s19+$0xC0] =	vst v1  }
0x48: {  	v1 =	vld [tilespmem:s21+$0xFFFFF820];
	[tilespmem:s19+$0xD0] =	vst v3  }
0x49: {  	v3 =	vld [tilespmem:s21+$0xFFFFF830];
	[tilespmem:s19+$0xE0] =	vst v4  }
0x4a: {  	v4 =	vld [tilespmem:s21+$0xFFFFF840];
	[tilespmem:s19+$0xFFFFFF00] =	vst v2;
	s19 =	sadd.s32 $0x200, s19  }
0x4b: {  	v2 =	vld [tilespmem:s21+$0xFFFFF850];
	[tilespmem:s19+$0xF0] =	vst v5  }
0x4c: {  	[tilespmem:s19+$0xFFFFFF10] =	vst v0;
	v0 =	vld [tilespmem:s21+$0xFFFFF860]  }
0x4d: {  	[tilespmem:s19+$0xFFFFFF20] =	vst v1;
	v1 =	vld [tilespmem:s21+$0xFFFFF870]  }
0x4e: {  	[tilespmem:s19+$0xFFFFFF30] =	vst v3;
	v3 =	vld [tilespmem:s21+$0xFFFFFC00]  }
0x4f: {  	[tilespmem:s19+$0xFFFFFF40] =	vst v4;
	v4 =	vld [tilespmem:s21+$0xFFFFFC10]  }
0x50: {  	[tilespmem:s19+$0xFFFFFF50] =	vst v2;
	v2 =	vld [tilespmem:s21+$0xFFFFFC20]  }
0x51: {  	[tilespmem:s19+$0xFFFFFF60] =	vst v0;
	v0 =	vld [tilespmem:s21+$0xFFFFFC30]  }
0x52: {  	[tilespmem:s19+$0xFFFFFF70] =	vst v1;
	v1 =	vld [tilespmem:s21+$0xFFFFFC40]  }
0x53: {  	[tilespmem:s19+$0xFFFFFF80] =	vst v3;
	v3 =	vld [tilespmem:s21+$0xFFFFFC50]  }
0x54: {  	[tilespmem:s19+$0xFFFFFF90] =	vst v4;
	v4 =	vld [tilespmem:s21+$0xFFFFFC60]  }
0x55: {  	[tilespmem:s19+$0xFFFFFFA0] =	vst v2;
	v2 =	vld [tilespmem:s21+$0xFFFFFC70]  }
0x56: {  	[tilespmem:s19+$0xFFFFFFB0] =	vst v0;
	v0 =	vld [tilespmem:s21+$0x0]  }
0x57: {  	[tilespmem:s19+$0xFFFFFFC0] =	vst v1;
	v1 =	vld [tilespmem:s21+$0x10]  }
0x58: {  	[tilespmem:s19+$0xFFFFFFD0] =	vst v3;
	v3 =	vld [tilespmem:s21+$0x20]  }
0x59: {  	[tilespmem:s19+$0xFFFFFFE0] =	vst v4;
	v4 =	vld [tilespmem:s21+$0x30]  }
0x5a: {  	[tilespmem:s19+$0xFFFFFFF0] =	vst v2;
	v2 =	vld [tilespmem:s21+$0x40]  }
0x5b: {  	[tilespmem:s19+$0x0] =	vst v0;
	v0 =	vld [tilespmem:s21+$0x50]  }
0x5c: {  	[tilespmem:s19+$0x10] =	vst v1;
	v1 =	vld [tilespmem:s21+$0x60]  }
0x5d: {  	[tilespmem:s19+$0x20] =	vst v3;
	v3 =	vld [tilespmem:s21+$0x70]  }
0x5e: {  	[tilespmem:s19+$0x30] =	vst v4;
	v4 =	vld [tilespmem:s21+$0x400]  }
0x5f: {  	[tilespmem:s19+$0x40] =	vst v2;
	v2 =	vld [tilespmem:s21+$0x410]  }
0x60: {  	[tilespmem:s19+$0x50] =	vst v0;
	v5 =	vld [tilespmem:s21+$0x420]  }
.Ltmp3:
0x61: {  	[tilespmem:s19+$0x60] =	vst v1;
	v0 =	vld [tilespmem:s21+$0x430];
	(pc) =	sbr.rel @p0 .LBB1_4-.Ltmp3, $4  }
0x62: {  	[tilespmem:s19+$0x70] =	vst v3;
	v1 =	vld [tilespmem:s21+$0x440]  }
0x63: {  	[tilespmem:s19+$0x80] =	vst v4;
	v3 =	vld [tilespmem:s21+$0x450]  }
0x64: {  	[tilespmem:s19+$0x90] =	vst v2;
	v4 =	vld [tilespmem:s21+$0x460]  }
0x65: {  	v2 =	vld [tilespmem:s21+$0xFFFFF800];
	[tilespmem:s19+$0xA0] =	vst v5;
	s21 =	sadd.s32 $0x1000, s21  }
0x66: {  	s18 =	sadd.s32 $0x1, s18  }
0x67: {  	p0 =	sne.s32 s18, $0x8  }
.Ltmp4:
0x68: {  	[tilespmem:s19+$0xB0] =	vst v0;
	(pc) =	sbr.rel @p0 .LBB1_3-.Ltmp4, $4  }
0x69: {  	[tilespmem:s19+$0xC0] =	vst v1  }
0x6a: {  	[tilespmem:s19+$0xD0] =	vst v3  }
0x6b: {  	[tilespmem:s19+$0xE0] =	vst v4  }
0x6c: {  	s16 =	sadd.s32 $0x800, s16;
	s17 =	sadd.s32 $0x80, s17;
	[tilespmem:s19+$0xFFFFFF00] =	vst v2  }
.Ltmp5:
0x6d: {  	(pc) =	sbr.rel .LBB1_7-.Ltmp5, $4  }
0x6e: {  	s14 =	sshll.u32 s14, $0x9;
	s16 =	sshrl.u32 s13, $0x3;
	s31 =	sand.u32 $0x7, s13  }
0x6f: {  	s16 =	sand.u32 $0x1FF, s16;
	s14 =	sadd.s32 s2, s14;
	s13 =	sshll.u32 s31, $0x12  }
0x70: {  	s14 =	sadd.s32 s16, s14;
	s13 =	sor.u32 $0x800, s13  }
0x71: {  	[hbm4b:s14+s13] =	stream.strided.scatter [tilespmem:s15], [sflag:$0x2], $0x4000, s8, s13, $0x38;
	[tilespmem:$0x10000] =	vst v63  }
.LBB1_8:
0x72: {  	_ =	sfence.sel $0x180000  }
0x73: {  	s2 =	simm.s32 $0x1;
	[bflag:$0x0] =	sbarrier.arrive $0xFFFF  }
0x74: {  	s31 =	simm.s32 $0x2;
	[sflag:s2] =	ssyncpa.u1 $0x1  }
0x75: {  	[sflag:s31] =	ssyncpa.u1 $0x1  }
0x76: {  	p0 =	sne.s32 s0, $0x0;
	_ =	strace $0x90000047  }
0x77: {  	s0 =	sadd.s32 @!p0 $0x100000, s1;
	[bflag:$0x2] =	sbarrier.arrive $0xFFFF  }
0x78: {  	[sflag:s0] =	ssyncadd.tile.s32 @!p0 $0x1;
	_ =	shalt  }
.Lfunc_end1:
_tile_overlayer_lowered:
.L_overlay_start_2:
0x79: {  	(tag) =	ssettag $0x2  }
0x7a: {  	s0 =	rddreg [dreg:$0x0];
	s2 =	stileid.u32  }
0x7b: {  	s1 =	rddreg [dreg:$0x1];
	p0 =	sne.s32 s2, $0x0  }
0x7c: {  	s3 =	rddreg [dreg:$0x2];
	[bflag:$0x3] =	sbarrier.arrive $0xFFFF;
	s2 =	simm.s32 @!p0 $0x1C01  }
0x7d: {  	[timem:s3], [sflag:s2] =	dma.local @!p0 [hbm:s0], s1  }
0x7e: {  	s0 =	simm.s32 @!p0 $0x1  }
0x7f: {  	_ =	swait.ge @!p0 [sflag:s0], s1  }
0x80: {  	s1 =	ssub.s32 @!p0 $0x0, s1;
	[sflag:s0] =	ssyncset.done @!p0 $0x0  }
0x81: {  	[sflag:s0] =	ssyncadd.s32 @!p0 s1  }
0x82: {  	[bflag:$0x3] =	sbarrier.arrive $0xFFFF  }
0x83: {  	_ =	shalt  }

</sc_bundles>
